<compile_context>
chip_gen: v7x
topology: tpu7x:2x2x1
jax: 0.10.2.dev20260603
libtpu: 0.0.44.dev20260713+nightly
codegen_flags: <defaults>
</compile_context>

<pallas_src>
import functools

import jax
import jax.numpy as jnp
from jax import lax
from jax.experimental import pallas as pl
from jax.experimental.pallas import tpu as pltpu
from jax.experimental.pallas import tpu_sc as plsc

NC = 2
NS = 16
NW = NC * NS
BPW = 512
K = 128
KP = K + 1
NBUF = 4
LANES = 16


@functools.partial(jax.jit, static_argnums=(2, 3, 4))
def _emb_lookup(xt, table, bsz, seq, d_model):
    scale = d_model ** 0.5
    nh = BPW // K
    mesh = plsc.VectorSubcoreMesh(core_axis_name="c", subcore_axis_name="s")

    @functools.partial(
        pl.kernel,
        mesh=mesh,
        out_type=jax.ShapeDtypeStruct((seq, d_model, bsz), jnp.float32),
        scratch_types=[
            pltpu.VMEM((seq, BPW), jnp.int32),
            [pltpu.VMEM((K, d_model), jnp.float32)] * NBUF,
            [pltpu.VMEM((d_model, KP), jnp.float32)] * NBUF,
            [pltpu.SemaphoreType.DMA] * NBUF,
            [pltpu.SemaphoreType.DMA] * NBUF,
        ],
        compiler_params=pltpu.CompilerParams(
            use_tc_tiling_on_sc=False, needs_layout_passes=False
        ),
    )
    def emb_kernel(xt_hbm, table_hbm, out_hbm, idx_v, rows, tbufs, gsems, wsems):
        wid = lax.axis_index("s") * NC + lax.axis_index("c")
        b0 = wid * BPW
        pltpu.sync_copy(xt_hbm.at[:, pl.ds(b0, BPW)], idx_v)

        iota = lax.iota(jnp.int32, LANES)
        fidx = [iota + j * LANES for j in range(d_model // LANES)]

        def gather(s, h, b):
            return pltpu.make_async_copy(
                table_hbm.at[idx_v.at[s, pl.ds(h * K, K)]], rows[b], gsems[b]
            )

        def writeback(s, h, b):
            return pltpu.make_async_copy(
                tbufs[b].at[:, pl.ds(0, K)],
                out_hbm.at[s, :, pl.ds(b0 + h * K, K)],
                wsems[b],
            )

        def outer(s, carry):
            for h in range(nh):
                @pl.when(s > 0)
                def _drain():
                    writeback(s - 1, h, h).wait()

                gather(s, h, h).start()

            for h in range(nh):
                gather(s, h, h).wait()

                @plsc.parallel_loop(0, K, unroll=8)
                def trans_row(i):
                    iidx = jnp.full((LANES,), 0, jnp.int32) + i
                    for j in range(d_model // LANES):
                        vec = rows[h][i, pl.ds(j * LANES, LANES)] * scale
                        plsc.store_scatter(tbufs[h], [fidx[j], iidx], vec)

                writeback(s, h, h).start()
            return carry

        lax.fori_loop(0, seq, outer, 0)
        for h in range(nh):
            writeback(seq - 1, h, h).wait()

    return emb_kernel(xt, table)


def kernel(x, table):
    bsz, seq = x.shape
    vocab, d_model = table.shape
    assert bsz == NW * BPW and BPW % K == 0 and BPW // K == NBUF
    out3 = _emb_lookup(x.T.astype(jnp.int32), table, bsz, seq, d_model)
    return jnp.transpose(out3, (2, 0, 1))

# --- scband reference (transcript-rebuilt; emitter-appended) ---
"""Pipeline reference for scband-embedder-75746043232873 (READ-ONLY COPY).

The authoritative reference and input builder live on the scoring server;
editing this copy changes nothing except your own understanding.
"""

import jax, jax.numpy as jnp
import numpy as np
import math

VOCAB = 1000000
D_MODEL = 64

def setup_inputs(seed: int = 0) -> dict:
    key = jax.random.key(seed)
    k1, k2 = jax.random.split(key)
    x = jax.random.randint(k1, (16384, 50), 0, VOCAB, dtype=jnp.int64 if jax.config.jax_enable_x64 else jnp.int32)
    table = jax.random.normal(k2, (VOCAB, D_MODEL), dtype=jnp.float32)
    return {"x": x, "table": table}

def reference(x, table):
    # nn.Embedding lookup followed by scale by sqrt(d_model)
    emb = jnp.take(table, x, axis=0)
    return emb * math.sqrt(D_MODEL)

if __name__ == "__main__":
    import jax
    _d = setup_inputs()
    print(jax.jit(kernel)(*tuple(_d.values())))

</pallas_src>

<mosaic_0001>
#map = affine_map<(d0, d1) -> (0, 0)>
#map1 = affine_map<(d0, d1) -> (0, 0, 0)>
module attributes {stable_mosaic.version = 14 : i64} {
  func.func @emb_kernel(%arg0: i32, %arg1: i32, %arg2: memref<50x16384xi32, #tpu.memory_space<hbm>>, %arg3: memref<1000000x64xf32, #tpu.memory_space<hbm>>, %arg4: memref<50x64x16384xf32, #tpu.memory_space<hbm>>, %arg5: memref<50x512xi32, #tpu.memory_space<vmem>>, %arg6: memref<128x64xf32, #tpu.memory_space<vmem>>, %arg7: memref<128x64xf32, #tpu.memory_space<vmem>>, %arg8: memref<128x64xf32, #tpu.memory_space<vmem>>, %arg9: memref<128x64xf32, #tpu.memory_space<vmem>>, %arg10: memref<64x129xf32, #tpu.memory_space<vmem>>, %arg11: memref<64x129xf32, #tpu.memory_space<vmem>>, %arg12: memref<64x129xf32, #tpu.memory_space<vmem>>, %arg13: memref<64x129xf32, #tpu.memory_space<vmem>>, %arg14: memref<!tpu.dma_semaphore, #tpu.memory_space<semaphore_mem>>, %arg15: memref<!tpu.dma_semaphore, #tpu.memory_space<semaphore_mem>>, %arg16: memref<!tpu.dma_semaphore, #tpu.memory_space<semaphore_mem>>, %arg17: memref<!tpu.dma_semaphore, #tpu.memory_space<semaphore_mem>>, %arg18: memref<!tpu.dma_semaphore, #tpu.memory_space<semaphore_mem>>, %arg19: memref<!tpu.dma_semaphore, #tpu.memory_space<semaphore_mem>>, %arg20: memref<!tpu.dma_semaphore, #tpu.memory_space<semaphore_mem>>, %arg21: memref<!tpu.dma_semaphore, #tpu.memory_space<semaphore_mem>>) attributes {dimension_semantics = [#tpu.dimension_semantics<core_parallel>, #tpu.dimension_semantics<subcore_parallel>], iteration_bounds = array<i64: 2, 16>, scalar_prefetch = 0 : i64, scratch_operands = 17 : i64, tpu.core_type = #tpu.core_type<sc_vector_subcore>, window_params = [{transform_indices = #map}, {transform_indices = #map}, {transform_indices = #map1}]} {
    %mul3A = arith.constant 2 : i32
    %mul3A_0 = arith.muli %arg1, %mul3A : i32
    %add3A = arith.addi %mul3A_0, %arg0 : i32
    %mul3A_1 = arith.constant 512 : i32
    %mul3A_2 = arith.muli %add3A, %mul3A_1 : i32
    "tpu.region"() ({
      %run_scoped3A = tpu.sem_alloc : memref<!tpu.dma_semaphore, #tpu.memory_space<semaphore_mem>>
      %dma_start3A = arith.constant 0 : i32
      %dma_start3A_79 = tpu.memref_slice %arg2[%dma_start3A, %mul3A_2] : memref<50x16384xi32, #tpu.memory_space<hbm>> -> memref<50x512xi32, #tpu.memory_space<hbm>>
      %dma_start3A_80 = arith.constant 0 : i32
      %dma_start3A_81 = tpu.memref_slice %arg2[%dma_start3A_80, %mul3A_2] : memref<50x16384xi32, #tpu.memory_space<hbm>> -> memref<50x512xi32, #tpu.memory_space<hbm>>
      tpu.enqueue_dma source(%dma_start3A_81 : memref<50x512xi32, #tpu.memory_space<hbm>>) target(%arg5 : memref<50x512xi32, #tpu.memory_space<vmem>>) target_semaphore(%run_scoped3A : memref<!tpu.dma_semaphore, #tpu.memory_space<semaphore_mem>>)
      %dma_wait3A_82 = arith.constant 0 : i32
      %dma_wait3A_83 = tpu.memref_slice %arg2[%dma_wait3A_82, %mul3A_2] : memref<50x16384xi32, #tpu.memory_space<hbm>> -> memref<50x512xi32, #tpu.memory_space<hbm>>
      %dma_wait3A_84 = arith.constant 0 : i32
      %dma_wait3A_85 = tpu.memref_slice %arg2[%dma_wait3A_84, %mul3A_2] : memref<50x16384xi32, #tpu.memory_space<hbm>> -> memref<50x512xi32, #tpu.memory_space<hbm>>
      tpu.wait_dma2 semaphore(%run_scoped3A : memref<!tpu.dma_semaphore, #tpu.memory_space<semaphore_mem>>) src(%dma_wait3A_85 : memref<50x512xi32, #tpu.memory_space<hbm>>) dst(%arg5 : memref<50x512xi32, #tpu.memory_space<vmem>>)
      tpu.yield
    }) : () -> ()
    %iota3A = tpu.iota {dimensions = array<i32: 0>} : vector<16xi32>
    %add3A_3 = arith.constant 0 : i32
    %add3A_4 = vector.broadcast %add3A_3 : i32 to vector<16xi32>
    %add3A_5 = arith.addi %iota3A, %add3A_4 : vector<16xi32>
    %add3A_6 = arith.constant 16 : i32
    %add3A_7 = vector.broadcast %add3A_6 : i32 to vector<16xi32>
    %add3A_8 = arith.addi %iota3A, %add3A_7 : vector<16xi32>
    %add3A_9 = arith.constant 32 : i32
    %add3A_10 = vector.broadcast %add3A_9 : i32 to vector<16xi32>
    %add3A_11 = arith.addi %iota3A, %add3A_10 : vector<16xi32>
    %add3A_12 = arith.constant 48 : i32
    %add3A_13 = vector.broadcast %add3A_12 : i32 to vector<16xi32>
    %add3A_14 = arith.addi %iota3A, %add3A_13 : vector<16xi32>
    %scan3A = arith.constant 0 : i32
    %scan3A_15 = arith.constant 0 : i32
    %scan3A_16 = arith.constant 50 : i32
    %scan3A_17 = arith.addi %scan3A_15, %scan3A_16 : i32
    %scan3A_18 = arith.constant 1 : i32
    scf.for %scan3A_79 = %scan3A_15 to %scan3A_17 step %scan3A_18  : i32 {
      %gt3A = arith.constant 0 : i32
      %gt3A_80 = arith.cmpi sgt, %scan3A_79, %gt3A : i32
      %convert_element_type3A = arith.extui %gt3A_80 : i1 to i32
      %cond3A = arith.constant 0 : i32
      %cond3A_81 = arith.cmpi ne, %convert_element_type3A, %cond3A : i32
      scf.if %cond3A_81 {
        %sub3A = arith.constant 1 : i32
        %sub3A_211 = arith.subi %scan3A_79, %sub3A : i32
        %add3A_212 = arith.constant 0 : i32
        %add3A_213 = arith.addi %mul3A_2, %add3A_212 : i32
        %dma_wait3A_214 = arith.constant 0 : i32
        %dma_wait3A_215 = arith.constant 0 : i32
        %dma_wait3A_216 = tpu.memref_slice %arg10[%dma_wait3A_214, %dma_wait3A_215] : memref<64x129xf32, #tpu.memory_space<vmem>> -> memref<64x128xf32, #tpu.memory_space<vmem>>
        %dma_wait3A_217 = arith.constant 0 : i32
        %dma_wait3A_218 = tpu.memref_slice %arg4[%sub3A_211, %dma_wait3A_217, %add3A_213] : memref<50x64x16384xf32, #tpu.memory_space<hbm>> -> memref<1x64x128xf32, #tpu.memory_space<hbm>>
        %dma_wait3A_219 = tpu.memref_squeeze %dma_wait3A_218 : memref<1x64x128xf32, #tpu.memory_space<hbm>> -> memref<64x128xf32, #tpu.memory_space<hbm>>
        %dma_wait3A_220 = arith.constant 0 : i32
        %dma_wait3A_221 = tpu.memref_slice %arg4[%sub3A_211, %dma_wait3A_220, %add3A_213] : memref<50x64x16384xf32, #tpu.memory_space<hbm>> -> memref<1x64x128xf32, #tpu.memory_space<hbm>>
        %dma_wait3A_222 = tpu.memref_squeeze %dma_wait3A_221 : memref<1x64x128xf32, #tpu.memory_space<hbm>> -> memref<64x128xf32, #tpu.memory_space<hbm>>
        %dma_wait3A_223 = arith.constant 0 : i32
        %dma_wait3A_224 = arith.constant 0 : i32
        %dma_wait3A_225 = tpu.memref_slice %arg10[%dma_wait3A_223, %dma_wait3A_224] : memref<64x129xf32, #tpu.memory_space<vmem>> -> memref<64x128xf32, #tpu.memory_space<vmem>>
        tpu.wait_dma2 semaphore(%arg18 : memref<!tpu.dma_semaphore, #tpu.memory_space<semaphore_mem>>) src(%dma_wait3A_225 : memref<64x128xf32, #tpu.memory_space<vmem>>) dst(%dma_wait3A_222 : memref<64x128xf32, #tpu.memory_space<hbm>>)
      } else {
      }
      %dma_start3A = arith.constant 0 : i32
      %dma_start3A_82 = tpu.memref_slice %arg5[%scan3A_79, %dma_start3A] : memref<50x512xi32, #tpu.memory_space<vmem>> -> memref<1x128xi32, #tpu.memory_space<vmem>>
      %dma_start3A_83 = tpu.memref_squeeze %dma_start3A_82 : memref<1x128xi32, #tpu.memory_space<vmem>> -> memref<128xi32, #tpu.memory_space<vmem>>
      %dma_start3A_84 = arith.constant 0 : i32
      %dma_start3A_85 = arith.constant 0 : i32
      %dma_start3A_86 = tpu.memref_slice %arg3[%dma_start3A_84, %dma_start3A_85] : memref<1000000x64xf32, #tpu.memory_space<hbm>> -> memref<1000000x64xf32, #tpu.memory_space<hbm>>
      tpu.enqueue_indirect_dma source(%dma_start3A_86 : memref<1000000x64xf32, #tpu.memory_space<hbm>>) target(%arg6 : memref<128x64xf32, #tpu.memory_space<vmem>>) offsets(%dma_start3A_83 : memref<128xi32, #tpu.memory_space<vmem>>) semaphore(%arg14 : memref<!tpu.dma_semaphore, #tpu.memory_space<semaphore_mem>>)
      %gt3A_87 = arith.constant 0 : i32
      %gt3A_88 = arith.cmpi sgt, %scan3A_79, %gt3A_87 : i32
      %convert_element_type3A_89 = arith.extui %gt3A_88 : i1 to i32
      %cond3A_90 = arith.constant 0 : i32
      %cond3A_91 = arith.cmpi ne, %convert_element_type3A_89, %cond3A_90 : i32
      scf.if %cond3A_91 {
        %sub3A = arith.constant 1 : i32
        %sub3A_211 = arith.subi %scan3A_79, %sub3A : i32
        %add3A_212 = arith.constant 128 : i32
        %add3A_213 = arith.addi %mul3A_2, %add3A_212 : i32
        %dma_wait3A_214 = arith.constant 0 : i32
        %dma_wait3A_215 = arith.constant 0 : i32
        %dma_wait3A_216 = tpu.memref_slice %arg11[%dma_wait3A_214, %dma_wait3A_215] : memref<64x129xf32, #tpu.memory_space<vmem>> -> memref<64x128xf32, #tpu.memory_space<vmem>>
        %dma_wait3A_217 = arith.constant 0 : i32
        %dma_wait3A_218 = tpu.memref_slice %arg4[%sub3A_211, %dma_wait3A_217, %add3A_213] : memref<50x64x16384xf32, #tpu.memory_space<hbm>> -> memref<1x64x128xf32, #tpu.memory_space<hbm>>
        %dma_wait3A_219 = tpu.memref_squeeze %dma_wait3A_218 : memref<1x64x128xf32, #tpu.memory_space<hbm>> -> memref<64x128xf32, #tpu.memory_space<hbm>>
        %dma_wait3A_220 = arith.constant 0 : i32
        %dma_wait3A_221 = tpu.memref_slice %arg4[%sub3A_211, %dma_wait3A_220, %add3A_213] : memref<50x64x16384xf32, #tpu.memory_space<hbm>> -> memref<1x64x128xf32, #tpu.memory_space<hbm>>
        %dma_wait3A_222 = tpu.memref_squeeze %dma_wait3A_221 : memref<1x64x128xf32, #tpu.memory_space<hbm>> -> memref<64x128xf32, #tpu.memory_space<hbm>>
        %dma_wait3A_223 = arith.constant 0 : i32
        %dma_wait3A_224 = arith.constant 0 : i32
        %dma_wait3A_225 = tpu.memref_slice %arg11[%dma_wait3A_223, %dma_wait3A_224] : memref<64x129xf32, #tpu.memory_space<vmem>> -> memref<64x128xf32, #tpu.memory_space<vmem>>
        tpu.wait_dma2 semaphore(%arg19 : memref<!tpu.dma_semaphore, #tpu.memory_space<semaphore_mem>>) src(%dma_wait3A_225 : memref<64x128xf32, #tpu.memory_space<vmem>>) dst(%dma_wait3A_222 : memref<64x128xf32, #tpu.memory_space<hbm>>)
      } else {
      }
      %dma_start3A_92 = arith.constant 128 : i32
      %dma_start3A_93 = tpu.memref_slice %arg5[%scan3A_79, %dma_start3A_92] : memref<50x512xi32, #tpu.memory_space<vmem>> -> memref<1x128xi32, #tpu.memory_space<vmem>>
      %dma_start3A_94 = tpu.memref_squeeze %dma_start3A_93 : memref<1x128xi32, #tpu.memory_space<vmem>> -> memref<128xi32, #tpu.memory_space<vmem>>
      %dma_start3A_95 = arith.constant 0 : i32
      %dma_start3A_96 = arith.constant 0 : i32
      %dma_start3A_97 = tpu.memref_slice %arg3[%dma_start3A_95, %dma_start3A_96] : memref<1000000x64xf32, #tpu.memory_space<hbm>> -> memref<1000000x64xf32, #tpu.memory_space<hbm>>
      tpu.enqueue_indirect_dma source(%dma_start3A_97 : memref<1000000x64xf32, #tpu.memory_space<hbm>>) target(%arg7 : memref<128x64xf32, #tpu.memory_space<vmem>>) offsets(%dma_start3A_94 : memref<128xi32, #tpu.memory_space<vmem>>) semaphore(%arg15 : memref<!tpu.dma_semaphore, #tpu.memory_space<semaphore_mem>>)
      %gt3A_98 = arith.constant 0 : i32
      %gt3A_99 = arith.cmpi sgt, %scan3A_79, %gt3A_98 : i32
      %convert_element_type3A_100 = arith.extui %gt3A_99 : i1 to i32
      %cond3A_101 = arith.constant 0 : i32
      %cond3A_102 = arith.cmpi ne, %convert_element_type3A_100, %cond3A_101 : i32
      scf.if %cond3A_102 {
        %sub3A = arith.constant 1 : i32
        %sub3A_211 = arith.subi %scan3A_79, %sub3A : i32
        %add3A_212 = arith.constant 256 : i32
        %add3A_213 = arith.addi %mul3A_2, %add3A_212 : i32
        %dma_wait3A_214 = arith.constant 0 : i32
        %dma_wait3A_215 = arith.constant 0 : i32
        %dma_wait3A_216 = tpu.memref_slice %arg12[%dma_wait3A_214, %dma_wait3A_215] : memref<64x129xf32, #tpu.memory_space<vmem>> -> memref<64x128xf32, #tpu.memory_space<vmem>>
        %dma_wait3A_217 = arith.constant 0 : i32
        %dma_wait3A_218 = tpu.memref_slice %arg4[%sub3A_211, %dma_wait3A_217, %add3A_213] : memref<50x64x16384xf32, #tpu.memory_space<hbm>> -> memref<1x64x128xf32, #tpu.memory_space<hbm>>
        %dma_wait3A_219 = tpu.memref_squeeze %dma_wait3A_218 : memref<1x64x128xf32, #tpu.memory_space<hbm>> -> memref<64x128xf32, #tpu.memory_space<hbm>>
        %dma_wait3A_220 = arith.constant 0 : i32
        %dma_wait3A_221 = tpu.memref_slice %arg4[%sub3A_211, %dma_wait3A_220, %add3A_213] : memref<50x64x16384xf32, #tpu.memory_space<hbm>> -> memref<1x64x128xf32, #tpu.memory_space<hbm>>
        %dma_wait3A_222 = tpu.memref_squeeze %dma_wait3A_221 : memref<1x64x128xf32, #tpu.memory_space<hbm>> -> memref<64x128xf32, #tpu.memory_space<hbm>>
        %dma_wait3A_223 = arith.constant 0 : i32
        %dma_wait3A_224 = arith.constant 0 : i32
        %dma_wait3A_225 = tpu.memref_slice %arg12[%dma_wait3A_223, %dma_wait3A_224] : memref<64x129xf32, #tpu.memory_space<vmem>> -> memref<64x128xf32, #tpu.memory_space<vmem>>
        tpu.wait_dma2 semaphore(%arg20 : memref<!tpu.dma_semaphore, #tpu.memory_space<semaphore_mem>>) src(%dma_wait3A_225 : memref<64x128xf32, #tpu.memory_space<vmem>>) dst(%dma_wait3A_222 : memref<64x128xf32, #tpu.memory_space<hbm>>)
      } else {
      }
      %dma_start3A_103 = arith.constant 256 : i32
      %dma_start3A_104 = tpu.memref_slice %arg5[%scan3A_79, %dma_start3A_103] : memref<50x512xi32, #tpu.memory_space<vmem>> -> memref<1x128xi32, #tpu.memory_space<vmem>>
      %dma_start3A_105 = tpu.memref_squeeze %dma_start3A_104 : memref<1x128xi32, #tpu.memory_space<vmem>> -> memref<128xi32, #tpu.memory_space<vmem>>
      %dma_start3A_106 = arith.constant 0 : i32
      %dma_start3A_107 = arith.constant 0 : i32
      %dma_start3A_108 = tpu.memref_slice %arg3[%dma_start3A_106, %dma_start3A_107] : memref<1000000x64xf32, #tpu.memory_space<hbm>> -> memref<1000000x64xf32, #tpu.memory_space<hbm>>
      tpu.enqueue_indirect_dma source(%dma_start3A_108 : memref<1000000x64xf32, #tpu.memory_space<hbm>>) target(%arg8 : memref<128x64xf32, #tpu.memory_space<vmem>>) offsets(%dma_start3A_105 : memref<128xi32, #tpu.memory_space<vmem>>) semaphore(%arg16 : memref<!tpu.dma_semaphore, #tpu.memory_space<semaphore_mem>>)
      %gt3A_109 = arith.constant 0 : i32
      %gt3A_110 = arith.cmpi sgt, %scan3A_79, %gt3A_109 : i32
      %convert_element_type3A_111 = arith.extui %gt3A_110 : i1 to i32
      %cond3A_112 = arith.constant 0 : i32
      %cond3A_113 = arith.cmpi ne, %convert_element_type3A_111, %cond3A_112 : i32
      scf.if %cond3A_113 {
        %sub3A = arith.constant 1 : i32
        %sub3A_211 = arith.subi %scan3A_79, %sub3A : i32
        %add3A_212 = arith.constant 384 : i32
        %add3A_213 = arith.addi %mul3A_2, %add3A_212 : i32
        %dma_wait3A_214 = arith.constant 0 : i32
        %dma_wait3A_215 = arith.constant 0 : i32
        %dma_wait3A_216 = tpu.memref_slice %arg13[%dma_wait3A_214, %dma_wait3A_215] : memref<64x129xf32, #tpu.memory_space<vmem>> -> memref<64x128xf32, #tpu.memory_space<vmem>>
        %dma_wait3A_217 = arith.constant 0 : i32
        %dma_wait3A_218 = tpu.memref_slice %arg4[%sub3A_211, %dma_wait3A_217, %add3A_213] : memref<50x64x16384xf32, #tpu.memory_space<hbm>> -> memref<1x64x128xf32, #tpu.memory_space<hbm>>
        %dma_wait3A_219 = tpu.memref_squeeze %dma_wait3A_218 : memref<1x64x128xf32, #tpu.memory_space<hbm>> -> memref<64x128xf32, #tpu.memory_space<hbm>>
        %dma_wait3A_220 = arith.constant 0 : i32
        %dma_wait3A_221 = tpu.memref_slice %arg4[%sub3A_211, %dma_wait3A_220, %add3A_213] : memref<50x64x16384xf32, #tpu.memory_space<hbm>> -> memref<1x64x128xf32, #tpu.memory_space<hbm>>
        %dma_wait3A_222 = tpu.memref_squeeze %dma_wait3A_221 : memref<1x64x128xf32, #tpu.memory_space<hbm>> -> memref<64x128xf32, #tpu.memory_space<hbm>>
        %dma_wait3A_223 = arith.constant 0 : i32
        %dma_wait3A_224 = arith.constant 0 : i32
        %dma_wait3A_225 = tpu.memref_slice %arg13[%dma_wait3A_223, %dma_wait3A_224] : memref<64x129xf32, #tpu.memory_space<vmem>> -> memref<64x128xf32, #tpu.memory_space<vmem>>
        tpu.wait_dma2 semaphore(%arg21 : memref<!tpu.dma_semaphore, #tpu.memory_space<semaphore_mem>>) src(%dma_wait3A_225 : memref<64x128xf32, #tpu.memory_space<vmem>>) dst(%dma_wait3A_222 : memref<64x128xf32, #tpu.memory_space<hbm>>)
      } else {
      }
      %dma_start3A_114 = arith.constant 384 : i32
      %dma_start3A_115 = tpu.memref_slice %arg5[%scan3A_79, %dma_start3A_114] : memref<50x512xi32, #tpu.memory_space<vmem>> -> memref<1x128xi32, #tpu.memory_space<vmem>>
      %dma_start3A_116 = tpu.memref_squeeze %dma_start3A_115 : memref<1x128xi32, #tpu.memory_space<vmem>> -> memref<128xi32, #tpu.memory_space<vmem>>
      %dma_start3A_117 = arith.constant 0 : i32
      %dma_start3A_118 = arith.constant 0 : i32
      %dma_start3A_119 = tpu.memref_slice %arg3[%dma_start3A_117, %dma_start3A_118] : memref<1000000x64xf32, #tpu.memory_space<hbm>> -> memref<1000000x64xf32, #tpu.memory_space<hbm>>
      tpu.enqueue_indirect_dma source(%dma_start3A_119 : memref<1000000x64xf32, #tpu.memory_space<hbm>>) target(%arg9 : memref<128x64xf32, #tpu.memory_space<vmem>>) offsets(%dma_start3A_116 : memref<128xi32, #tpu.memory_space<vmem>>) semaphore(%arg17 : memref<!tpu.dma_semaphore, #tpu.memory_space<semaphore_mem>>)
      %dma_wait3A_120 = arith.constant 0 : i32
      %dma_wait3A_121 = tpu.memref_slice %arg5[%scan3A_79, %dma_wait3A_120] : memref<50x512xi32, #tpu.memory_space<vmem>> -> memref<1x128xi32, #tpu.memory_space<vmem>>
      %dma_wait3A_122 = tpu.memref_squeeze %dma_wait3A_121 : memref<1x128xi32, #tpu.memory_space<vmem>> -> memref<128xi32, #tpu.memory_space<vmem>>
      %dma_wait3A_123 = arith.constant 0 : i32
      %dma_wait3A_124 = arith.constant 0 : i32
      %dma_wait3A_125 = tpu.memref_slice %arg3[%dma_wait3A_123, %dma_wait3A_124] : memref<1000000x64xf32, #tpu.memory_space<hbm>> -> memref<1000000x64xf32, #tpu.memory_space<hbm>>
      tpu.wait_indirect_dma semaphore(%arg14 : memref<!tpu.dma_semaphore, #tpu.memory_space<semaphore_mem>>) src(%dma_wait3A_125 : memref<1000000x64xf32, #tpu.memory_space<hbm>>) dst(%arg6 : memref<128x64xf32, #tpu.memory_space<vmem>>)
      %parallel_loop3A = arith.constant 0 : i32
      %parallel_loop3A_126 = arith.constant 128 : i32
      %parallel_loop3A_127 = arith.constant 1 : i32
      scf.for %parallel_loop3A_211 = %parallel_loop3A to %parallel_loop3A_126 step %parallel_loop3A_127  : i32 {
        %parallel_loop3A_212 = arith.constant 0 : i32
        %parallel_loop3A_213 = vector.broadcast %parallel_loop3A_212 : i32 to vector<16xi32>
        %parallel_loop3A_214 = vector.broadcast %parallel_loop3A_211 : i32 to vector<16xi32>
        %parallel_loop3A_215 = arith.addi %parallel_loop3A_213, %parallel_loop3A_214 : vector<16xi32>
        %parallel_loop3A_216 = arith.index_cast %parallel_loop3A_211 : i32 to index
        %parallel_loop3A_217 = arith.constant 0 : index
        %parallel_loop3A_218 = tpu.vector_load %arg6[%parallel_loop3A_216, %parallel_loop3A_217] {strides = array<i32>} : memref<128x64xf32, #tpu.memory_space<vmem>>, vector<16xf32>,
        %parallel_loop3A_219 = arith.constant 8.000000e+00 : f32
        %parallel_loop3A_220 = vector.broadcast %parallel_loop3A_219 : f32 to vector<16xf32>
        %parallel_loop3A_221 = arith.mulf %parallel_loop3A_218, %parallel_loop3A_220 : vector<16xf32>
        tpu.vector_store_idx %arg10[%add3A_5, %parallel_loop3A_215], %parallel_loop3A_221 : memref<64x129xf32, #tpu.memory_space<vmem>>[vector<16xi32>, vector<16xi32>], vector<16xf32>,
        %parallel_loop3A_222 = arith.index_cast %parallel_loop3A_211 : i32 to index
        %parallel_loop3A_223 = arith.constant 16 : index
        %parallel_loop3A_224 = tpu.vector_load %arg6[%parallel_loop3A_222, %parallel_loop3A_223] {strides = array<i32>} : memref<128x64xf32, #tpu.memory_space<vmem>>, vector<16xf32>,
        %parallel_loop3A_225 = arith.constant 8.000000e+00 : f32
        %parallel_loop3A_226 = vector.broadcast %parallel_loop3A_225 : f32 to vector<16xf32>
        %parallel_loop3A_227 = arith.mulf %parallel_loop3A_224, %parallel_loop3A_226 : vector<16xf32>
        tpu.vector_store_idx %arg10[%add3A_8, %parallel_loop3A_215], %parallel_loop3A_227 : memref<64x129xf32, #tpu.memory_space<vmem>>[vector<16xi32>, vector<16xi32>], vector<16xf32>,
        %parallel_loop3A_228 = arith.index_cast %parallel_loop3A_211 : i32 to index
        %parallel_loop3A_229 = arith.constant 32 : index
        %parallel_loop3A_230 = tpu.vector_load %arg6[%parallel_loop3A_228, %parallel_loop3A_229] {strides = array<i32>} : memref<128x64xf32, #tpu.memory_space<vmem>>, vector<16xf32>,
        %parallel_loop3A_231 = arith.constant 8.000000e+00 : f32
        %parallel_loop3A_232 = vector.broadcast %parallel_loop3A_231 : f32 to vector<16xf32>
        %parallel_loop3A_233 = arith.mulf %parallel_loop3A_230, %parallel_loop3A_232 : vector<16xf32>
        tpu.vector_store_idx %arg10[%add3A_11, %parallel_loop3A_215], %parallel_loop3A_233 : memref<64x129xf32, #tpu.memory_space<vmem>>[vector<16xi32>, vector<16xi32>], vector<16xf32>,
        %parallel_loop3A_234 = arith.index_cast %parallel_loop3A_211 : i32 to index
        %parallel_loop3A_235 = arith.constant 48 : index
        %parallel_loop3A_236 = tpu.vector_load %arg6[%parallel_loop3A_234, %parallel_loop3A_235] {strides = array<i32>} : memref<128x64xf32, #tpu.memory_space<vmem>>, vector<16xf32>,
        %parallel_loop3A_237 = arith.constant 8.000000e+00 : f32
        %parallel_loop3A_238 = vector.broadcast %parallel_loop3A_237 : f32 to vector<16xf32>
        %parallel_loop3A_239 = arith.mulf %parallel_loop3A_236, %parallel_loop3A_238 : vector<16xf32>
        tpu.vector_store_idx %arg10[%add3A_14, %parallel_loop3A_215], %parallel_loop3A_239 : memref<64x129xf32, #tpu.memory_space<vmem>>[vector<16xi32>, vector<16xi32>], vector<16xf32>,
      } {sc.loop_unroll_factor = 8 : i64, sc.parallel_access}
      %add3A_128 = arith.constant 0 : i32
      %add3A_129 = arith.addi %mul3A_2, %add3A_128 : i32
      %dma_start3A_130 = arith.constant 0 : i32
      %dma_start3A_131 = arith.constant 0 : i32
      %dma_start3A_132 = tpu.memref_slice %arg10[%dma_start3A_130, %dma_start3A_131] : memref<64x129xf32, #tpu.memory_space<vmem>> -> memref<64x128xf32, #tpu.memory_space<vmem>>
      %dma_start3A_133 = arith.constant 0 : i32
      %dma_start3A_134 = tpu.memref_slice %arg4[%scan3A_79, %dma_start3A_133, %add3A_129] : memref<50x64x16384xf32, #tpu.memory_space<hbm>> -> memref<1x64x128xf32, #tpu.memory_space<hbm>>
      %dma_start3A_135 = tpu.memref_squeeze %dma_start3A_134 : memref<1x64x128xf32, #tpu.memory_space<hbm>> -> memref<64x128xf32, #tpu.memory_space<hbm>>
      %dma_start3A_136 = arith.constant 0 : i32
      %dma_start3A_137 = tpu.memref_slice %arg4[%scan3A_79, %dma_start3A_136, %add3A_129] : memref<50x64x16384xf32, #tpu.memory_space<hbm>> -> memref<1x64x128xf32, #tpu.memory_space<hbm>>
      %dma_start3A_138 = tpu.memref_squeeze %dma_start3A_137 : memref<1x64x128xf32, #tpu.memory_space<hbm>> -> memref<64x128xf32, #tpu.memory_space<hbm>>
      %dma_start3A_139 = arith.constant 0 : i32
      %dma_start3A_140 = arith.constant 0 : i32
      %dma_start3A_141 = tpu.memref_slice %arg10[%dma_start3A_139, %dma_start3A_140] : memref<64x129xf32, #tpu.memory_space<vmem>> -> memref<64x128xf32, #tpu.memory_space<vmem>>
      tpu.enqueue_dma source(%dma_start3A_141 : memref<64x128xf32, #tpu.memory_space<vmem>>) target(%dma_start3A_138 : memref<64x128xf32, #tpu.memory_space<hbm>>) target_semaphore(%arg18 : memref<!tpu.dma_semaphore, #tpu.memory_space<semaphore_mem>>)
      %dma_wait3A_142 = arith.constant 128 : i32
      %dma_wait3A_143 = tpu.memref_slice %arg5[%scan3A_79, %dma_wait3A_142] : memref<50x512xi32, #tpu.memory_space<vmem>> -> memref<1x128xi32, #tpu.memory_space<vmem>>
      %dma_wait3A_144 = tpu.memref_squeeze %dma_wait3A_143 : memref<1x128xi32, #tpu.memory_space<vmem>> -> memref<128xi32, #tpu.memory_space<vmem>>
      %dma_wait3A_145 = arith.constant 0 : i32
      %dma_wait3A_146 = arith.constant 0 : i32
      %dma_wait3A_147 = tpu.memref_slice %arg3[%dma_wait3A_145, %dma_wait3A_146] : memref<1000000x64xf32, #tpu.memory_space<hbm>> -> memref<1000000x64xf32, #tpu.memory_space<hbm>>
      tpu.wait_indirect_dma semaphore(%arg15 : memref<!tpu.dma_semaphore, #tpu.memory_space<semaphore_mem>>) src(%dma_wait3A_147 : memref<1000000x64xf32, #tpu.memory_space<hbm>>) dst(%arg7 : memref<128x64xf32, #tpu.memory_space<vmem>>)
      %parallel_loop3A_148 = arith.constant 0 : i32
      %parallel_loop3A_149 = arith.constant 128 : i32
      %parallel_loop3A_150 = arith.constant 1 : i32
      scf.for %parallel_loop3A_211 = %parallel_loop3A_148 to %parallel_loop3A_149 step %parallel_loop3A_150  : i32 {
        %parallel_loop3A_212 = arith.constant 0 : i32
        %parallel_loop3A_213 = vector.broadcast %parallel_loop3A_212 : i32 to vector<16xi32>
        %parallel_loop3A_214 = vector.broadcast %parallel_loop3A_211 : i32 to vector<16xi32>
        %parallel_loop3A_215 = arith.addi %parallel_loop3A_213, %parallel_loop3A_214 : vector<16xi32>
        %parallel_loop3A_216 = arith.index_cast %parallel_loop3A_211 : i32 to index
        %parallel_loop3A_217 = arith.constant 0 : index
        %parallel_loop3A_218 = tpu.vector_load %arg7[%parallel_loop3A_216, %parallel_loop3A_217] {strides = array<i32>} : memref<128x64xf32, #tpu.memory_space<vmem>>, vector<16xf32>,
        %parallel_loop3A_219 = arith.constant 8.000000e+00 : f32
        %parallel_loop3A_220 = vector.broadcast %parallel_loop3A_219 : f32 to vector<16xf32>
        %parallel_loop3A_221 = arith.mulf %parallel_loop3A_218, %parallel_loop3A_220 : vector<16xf32>
        tpu.vector_store_idx %arg11[%add3A_5, %parallel_loop3A_215], %parallel_loop3A_221 : memref<64x129xf32, #tpu.memory_space<vmem>>[vector<16xi32>, vector<16xi32>], vector<16xf32>,
        %parallel_loop3A_222 = arith.index_cast %parallel_loop3A_211 : i32 to index
        %parallel_loop3A_223 = arith.constant 16 : index
        %parallel_loop3A_224 = tpu.vector_load %arg7[%parallel_loop3A_222, %parallel_loop3A_223] {strides = array<i32>} : memref<128x64xf32, #tpu.memory_space<vmem>>, vector<16xf32>,
        %parallel_loop3A_225 = arith.constant 8.000000e+00 : f32
        %parallel_loop3A_226 = vector.broadcast %parallel_loop3A_225 : f32 to vector<16xf32>
        %parallel_loop3A_227 = arith.mulf %parallel_loop3A_224, %parallel_loop3A_226 : vector<16xf32>
        tpu.vector_store_idx %arg11[%add3A_8, %parallel_loop3A_215], %parallel_loop3A_227 : memref<64x129xf32, #tpu.memory_space<vmem>>[vector<16xi32>, vector<16xi32>], vector<16xf32>,
        %parallel_loop3A_228 = arith.index_cast %parallel_loop3A_211 : i32 to index
        %parallel_loop3A_229 = arith.constant 32 : index
        %parallel_loop3A_230 = tpu.vector_load %arg7[%parallel_loop3A_228, %parallel_loop3A_229] {strides = array<i32>} : memref<128x64xf32, #tpu.memory_space<vmem>>, vector<16xf32>,
        %parallel_loop3A_231 = arith.constant 8.000000e+00 : f32
        %parallel_loop3A_232 = vector.broadcast %parallel_loop3A_231 : f32 to vector<16xf32>
        %parallel_loop3A_233 = arith.mulf %parallel_loop3A_230, %parallel_loop3A_232 : vector<16xf32>
        tpu.vector_store_idx %arg11[%add3A_11, %parallel_loop3A_215], %parallel_loop3A_233 : memref<64x129xf32, #tpu.memory_space<vmem>>[vector<16xi32>, vector<16xi32>], vector<16xf32>,
        %parallel_loop3A_234 = arith.index_cast %parallel_loop3A_211 : i32 to index
        %parallel_loop3A_235 = arith.constant 48 : index
        %parallel_loop3A_236 = tpu.vector_load %arg7[%parallel_loop3A_234, %parallel_loop3A_235] {strides = array<i32>} : memref<128x64xf32, #tpu.memory_space<vmem>>, vector<16xf32>,
        %parallel_loop3A_237 = arith.constant 8.000000e+00 : f32
        %parallel_loop3A_238 = vector.broadcast %parallel_loop3A_237 : f32 to vector<16xf32>
        %parallel_loop3A_239 = arith.mulf %parallel_loop3A_236, %parallel_loop3A_238 : vector<16xf32>
        tpu.vector_store_idx %arg11[%add3A_14, %parallel_loop3A_215], %parallel_loop3A_239 : memref<64x129xf32, #tpu.memory_space<vmem>>[vector<16xi32>, vector<16xi32>], vector<16xf32>,
      } {sc.loop_unroll_factor = 8 : i64, sc.parallel_access}
      %add3A_151 = arith.constant 128 : i32
      %add3A_152 = arith.addi %mul3A_2, %add3A_151 : i32
      %dma_start3A_153 = arith.constant 0 : i32
      %dma_start3A_154 = arith.constant 0 : i32
      %dma_start3A_155 = tpu.memref_slice %arg11[%dma_start3A_153, %dma_start3A_154] : memref<64x129xf32, #tpu.memory_space<vmem>> -> memref<64x128xf32, #tpu.memory_space<vmem>>
      %dma_start3A_156 = arith.constant 0 : i32
      %dma_start3A_157 = tpu.memref_slice %arg4[%scan3A_79, %dma_start3A_156, %add3A_152] : memref<50x64x16384xf32, #tpu.memory_space<hbm>> -> memref<1x64x128xf32, #tpu.memory_space<hbm>>
      %dma_start3A_158 = tpu.memref_squeeze %dma_start3A_157 : memref<1x64x128xf32, #tpu.memory_space<hbm>> -> memref<64x128xf32, #tpu.memory_space<hbm>>
      %dma_start3A_159 = arith.constant 0 : i32
      %dma_start3A_160 = tpu.memref_slice %arg4[%scan3A_79, %dma_start3A_159, %add3A_152] : memref<50x64x16384xf32, #tpu.memory_space<hbm>> -> memref<1x64x128xf32, #tpu.memory_space<hbm>>
      %dma_start3A_161 = tpu.memref_squeeze %dma_start3A_160 : memref<1x64x128xf32, #tpu.memory_space<hbm>> -> memref<64x128xf32, #tpu.memory_space<hbm>>
      %dma_start3A_162 = arith.constant 0 : i32
      %dma_start3A_163 = arith.constant 0 : i32
      %dma_start3A_164 = tpu.memref_slice %arg11[%dma_start3A_162, %dma_start3A_163] : memref<64x129xf32, #tpu.memory_space<vmem>> -> memref<64x128xf32, #tpu.memory_space<vmem>>
      tpu.enqueue_dma source(%dma_start3A_164 : memref<64x128xf32, #tpu.memory_space<vmem>>) target(%dma_start3A_161 : memref<64x128xf32, #tpu.memory_space<hbm>>) target_semaphore(%arg19 : memref<!tpu.dma_semaphore, #tpu.memory_space<semaphore_mem>>)
      %dma_wait3A_165 = arith.constant 256 : i32
      %dma_wait3A_166 = tpu.memref_slice %arg5[%scan3A_79, %dma_wait3A_165] : memref<50x512xi32, #tpu.memory_space<vmem>> -> memref<1x128xi32, #tpu.memory_space<vmem>>
      %dma_wait3A_167 = tpu.memref_squeeze %dma_wait3A_166 : memref<1x128xi32, #tpu.memory_space<vmem>> -> memref<128xi32, #tpu.memory_space<vmem>>
      %dma_wait3A_168 = arith.constant 0 : i32
      %dma_wait3A_169 = arith.constant 0 : i32
      %dma_wait3A_170 = tpu.memref_slice %arg3[%dma_wait3A_168, %dma_wait3A_169] : memref<1000000x64xf32, #tpu.memory_space<hbm>> -> memref<1000000x64xf32, #tpu.memory_space<hbm>>
      tpu.wait_indirect_dma semaphore(%arg16 : memref<!tpu.dma_semaphore, #tpu.memory_space<semaphore_mem>>) src(%dma_wait3A_170 : memref<1000000x64xf32, #tpu.memory_space<hbm>>) dst(%arg8 : memref<128x64xf32, #tpu.memory_space<vmem>>)
      %parallel_loop3A_171 = arith.constant 0 : i32
      %parallel_loop3A_172 = arith.constant 128 : i32
      %parallel_loop3A_173 = arith.constant 1 : i32
      scf.for %parallel_loop3A_211 = %parallel_loop3A_171 to %parallel_loop3A_172 step %parallel_loop3A_173  : i32 {
        %parallel_loop3A_212 = arith.constant 0 : i32
        %parallel_loop3A_213 = vector.broadcast %parallel_loop3A_212 : i32 to vector<16xi32>
        %parallel_loop3A_214 = vector.broadcast %parallel_loop3A_211 : i32 to vector<16xi32>
        %parallel_loop3A_215 = arith.addi %parallel_loop3A_213, %parallel_loop3A_214 : vector<16xi32>
        %parallel_loop3A_216 = arith.index_cast %parallel_loop3A_211 : i32 to index
        %parallel_loop3A_217 = arith.constant 0 : index
        %parallel_loop3A_218 = tpu.vector_load %arg8[%parallel_loop3A_216, %parallel_loop3A_217] {strides = array<i32>} : memref<128x64xf32, #tpu.memory_space<vmem>>, vector<16xf32>,
        %parallel_loop3A_219 = arith.constant 8.000000e+00 : f32
        %parallel_loop3A_220 = vector.broadcast %parallel_loop3A_219 : f32 to vector<16xf32>
        %parallel_loop3A_221 = arith.mulf %parallel_loop3A_218, %parallel_loop3A_220 : vector<16xf32>
        tpu.vector_store_idx %arg12[%add3A_5, %parallel_loop3A_215], %parallel_loop3A_221 : memref<64x129xf32, #tpu.memory_space<vmem>>[vector<16xi32>, vector<16xi32>], vector<16xf32>,
        %parallel_loop3A_222 = arith.index_cast %parallel_loop3A_211 : i32 to index
        %parallel_loop3A_223 = arith.constant 16 : index
        %parallel_loop3A_224 = tpu.vector_load %arg8[%parallel_loop3A_222, %parallel_loop3A_223] {strides = array<i32>} : memref<128x64xf32, #tpu.memory_space<vmem>>, vector<16xf32>,
        %parallel_loop3A_225 = arith.constant 8.000000e+00 : f32
        %parallel_loop3A_226 = vector.broadcast %parallel_loop3A_225 : f32 to vector<16xf32>
        %parallel_loop3A_227 = arith.mulf %parallel_loop3A_224, %parallel_loop3A_226 : vector<16xf32>
        tpu.vector_store_idx %arg12[%add3A_8, %parallel_loop3A_215], %parallel_loop3A_227 : memref<64x129xf32, #tpu.memory_space<vmem>>[vector<16xi32>, vector<16xi32>], vector<16xf32>,
        %parallel_loop3A_228 = arith.index_cast %parallel_loop3A_211 : i32 to index
        %parallel_loop3A_229 = arith.constant 32 : index
        %parallel_loop3A_230 = tpu.vector_load %arg8[%parallel_loop3A_228, %parallel_loop3A_229] {strides = array<i32>} : memref<128x64xf32, #tpu.memory_space<vmem>>, vector<16xf32>,
        %parallel_loop3A_231 = arith.constant 8.000000e+00 : f32
        %parallel_loop3A_232 = vector.broadcast %parallel_loop3A_231 : f32 to vector<16xf32>
        %parallel_loop3A_233 = arith.mulf %parallel_loop3A_230, %parallel_loop3A_232 : vector<16xf32>
        tpu.vector_store_idx %arg12[%add3A_11, %parallel_loop3A_215], %parallel_loop3A_233 : memref<64x129xf32, #tpu.memory_space<vmem>>[vector<16xi32>, vector<16xi32>], vector<16xf32>,
        %parallel_loop3A_234 = arith.index_cast %parallel_loop3A_211 : i32 to index
        %parallel_loop3A_235 = arith.constant 48 : index
        %parallel_loop3A_236 = tpu.vector_load %arg8[%parallel_loop3A_234, %parallel_loop3A_235] {strides = array<i32>} : memref<128x64xf32, #tpu.memory_space<vmem>>, vector<16xf32>,
        %parallel_loop3A_237 = arith.constant 8.000000e+00 : f32
        %parallel_loop3A_238 = vector.broadcast %parallel_loop3A_237 : f32 to vector<16xf32>
        %parallel_loop3A_239 = arith.mulf %parallel_loop3A_236, %parallel_loop3A_238 : vector<16xf32>
        tpu.vector_store_idx %arg12[%add3A_14, %parallel_loop3A_215], %parallel_loop3A_239 : memref<64x129xf32, #tpu.memory_space<vmem>>[vector<16xi32>, vector<16xi32>], vector<16xf32>,
      } {sc.loop_unroll_factor = 8 : i64, sc.parallel_access}
      %add3A_174 = arith.constant 256 : i32
      %add3A_175 = arith.addi %mul3A_2, %add3A_174 : i32
      %dma_start3A_176 = arith.constant 0 : i32
      %dma_start3A_177 = arith.constant 0 : i32
      %dma_start3A_178 = tpu.memref_slice %arg12[%dma_start3A_176, %dma_start3A_177] : memref<64x129xf32, #tpu.memory_space<vmem>> -> memref<64x128xf32, #tpu.memory_space<vmem>>
      %dma_start3A_179 = arith.constant 0 : i32
      %dma_start3A_180 = tpu.memref_slice %arg4[%scan3A_79, %dma_start3A_179, %add3A_175] : memref<50x64x16384xf32, #tpu.memory_space<hbm>> -> memref<1x64x128xf32, #tpu.memory_space<hbm>>
      %dma_start3A_181 = tpu.memref_squeeze %dma_start3A_180 : memref<1x64x128xf32, #tpu.memory_space<hbm>> -> memref<64x128xf32, #tpu.memory_space<hbm>>
      %dma_start3A_182 = arith.constant 0 : i32
      %dma_start3A_183 = tpu.memref_slice %arg4[%scan3A_79, %dma_start3A_182, %add3A_175] : memref<50x64x16384xf32, #tpu.memory_space<hbm>> -> memref<1x64x128xf32, #tpu.memory_space<hbm>>
      %dma_start3A_184 = tpu.memref_squeeze %dma_start3A_183 : memref<1x64x128xf32, #tpu.memory_space<hbm>> -> memref<64x128xf32, #tpu.memory_space<hbm>>
      %dma_start3A_185 = arith.constant 0 : i32
      %dma_start3A_186 = arith.constant 0 : i32
      %dma_start3A_187 = tpu.memref_slice %arg12[%dma_start3A_185, %dma_start3A_186] : memref<64x129xf32, #tpu.memory_space<vmem>> -> memref<64x128xf32, #tpu.memory_space<vmem>>
      tpu.enqueue_dma source(%dma_start3A_187 : memref<64x128xf32, #tpu.memory_space<vmem>>) target(%dma_start3A_184 : memref<64x128xf32, #tpu.memory_space<hbm>>) target_semaphore(%arg20 : memref<!tpu.dma_semaphore, #tpu.memory_space<semaphore_mem>>)
      %dma_wait3A_188 = arith.constant 384 : i32
      %dma_wait3A_189 = tpu.memref_slice %arg5[%scan3A_79, %dma_wait3A_188] : memref<50x512xi32, #tpu.memory_space<vmem>> -> memref<1x128xi32, #tpu.memory_space<vmem>>
      %dma_wait3A_190 = tpu.memref_squeeze %dma_wait3A_189 : memref<1x128xi32, #tpu.memory_space<vmem>> -> memref<128xi32, #tpu.memory_space<vmem>>
      %dma_wait3A_191 = arith.constant 0 : i32
      %dma_wait3A_192 = arith.constant 0 : i32
      %dma_wait3A_193 = tpu.memref_slice %arg3[%dma_wait3A_191, %dma_wait3A_192] : memref<1000000x64xf32, #tpu.memory_space<hbm>> -> memref<1000000x64xf32, #tpu.memory_space<hbm>>
      tpu.wait_indirect_dma semaphore(%arg17 : memref<!tpu.dma_semaphore, #tpu.memory_space<semaphore_mem>>) src(%dma_wait3A_193 : memref<1000000x64xf32, #tpu.memory_space<hbm>>) dst(%arg9 : memref<128x64xf32, #tpu.memory_space<vmem>>)
      %parallel_loop3A_194 = arith.constant 0 : i32
      %parallel_loop3A_195 = arith.constant 128 : i32
      %parallel_loop3A_196 = arith.constant 1 : i32
      scf.for %parallel_loop3A_211 = %parallel_loop3A_194 to %parallel_loop3A_195 step %parallel_loop3A_196  : i32 {
        %parallel_loop3A_212 = arith.constant 0 : i32
        %parallel_loop3A_213 = vector.broadcast %parallel_loop3A_212 : i32 to vector<16xi32>
        %parallel_loop3A_214 = vector.broadcast %parallel_loop3A_211 : i32 to vector<16xi32>
        %parallel_loop3A_215 = arith.addi %parallel_loop3A_213, %parallel_loop3A_214 : vector<16xi32>
        %parallel_loop3A_216 = arith.index_cast %parallel_loop3A_211 : i32 to index
        %parallel_loop3A_217 = arith.constant 0 : index
        %parallel_loop3A_218 = tpu.vector_load %arg9[%parallel_loop3A_216, %parallel_loop3A_217] {strides = array<i32>} : memref<128x64xf32, #tpu.memory_space<vmem>>, vector<16xf32>,
        %parallel_loop3A_219 = arith.constant 8.000000e+00 : f32
        %parallel_loop3A_220 = vector.broadcast %parallel_loop3A_219 : f32 to vector<16xf32>
        %parallel_loop3A_221 = arith.mulf %parallel_loop3A_218, %parallel_loop3A_220 : vector<16xf32>
        tpu.vector_store_idx %arg13[%add3A_5, %parallel_loop3A_215], %parallel_loop3A_221 : memref<64x129xf32, #tpu.memory_space<vmem>>[vector<16xi32>, vector<16xi32>], vector<16xf32>,
        %parallel_loop3A_222 = arith.index_cast %parallel_loop3A_211 : i32 to index
        %parallel_loop3A_223 = arith.constant 16 : index
        %parallel_loop3A_224 = tpu.vector_load %arg9[%parallel_loop3A_222, %parallel_loop3A_223] {strides = array<i32>} : memref<128x64xf32, #tpu.memory_space<vmem>>, vector<16xf32>,
        %parallel_loop3A_225 = arith.constant 8.000000e+00 : f32
        %parallel_loop3A_226 = vector.broadcast %parallel_loop3A_225 : f32 to vector<16xf32>
        %parallel_loop3A_227 = arith.mulf %parallel_loop3A_224, %parallel_loop3A_226 : vector<16xf32>
        tpu.vector_store_idx %arg13[%add3A_8, %parallel_loop3A_215], %parallel_loop3A_227 : memref<64x129xf32, #tpu.memory_space<vmem>>[vector<16xi32>, vector<16xi32>], vector<16xf32>,
        %parallel_loop3A_228 = arith.index_cast %parallel_loop3A_211 : i32 to index
        %parallel_loop3A_229 = arith.constant 32 : index
        %parallel_loop3A_230 = tpu.vector_load %arg9[%parallel_loop3A_228, %parallel_loop3A_229] {strides = array<i32>} : memref<128x64xf32, #tpu.memory_space<vmem>>, vector<16xf32>,
        %parallel_loop3A_231 = arith.constant 8.000000e+00 : f32
        %parallel_loop3A_232 = vector.broadcast %parallel_loop3A_231 : f32 to vector<16xf32>
        %parallel_loop3A_233 = arith.mulf %parallel_loop3A_230, %parallel_loop3A_232 : vector<16xf32>
        tpu.vector_store_idx %arg13[%add3A_11, %parallel_loop3A_215], %parallel_loop3A_233 : memref<64x129xf32, #tpu.memory_space<vmem>>[vector<16xi32>, vector<16xi32>], vector<16xf32>,
        %parallel_loop3A_234 = arith.index_cast %parallel_loop3A_211 : i32 to index
        %parallel_loop3A_235 = arith.constant 48 : index
        %parallel_loop3A_236 = tpu.vector_load %arg9[%parallel_loop3A_234, %parallel_loop3A_235] {strides = array<i32>} : memref<128x64xf32, #tpu.memory_space<vmem>>, vector<16xf32>,
        %parallel_loop3A_237 = arith.constant 8.000000e+00 : f32
        %parallel_loop3A_238 = vector.broadcast %parallel_loop3A_237 : f32 to vector<16xf32>
        %parallel_loop3A_239 = arith.mulf %parallel_loop3A_236, %parallel_loop3A_238 : vector<16xf32>
        tpu.vector_store_idx %arg13[%add3A_14, %parallel_loop3A_215], %parallel_loop3A_239 : memref<64x129xf32, #tpu.memory_space<vmem>>[vector<16xi32>, vector<16xi32>], vector<16xf32>,
      } {sc.loop_unroll_factor = 8 : i64, sc.parallel_access}
      %add3A_197 = arith.constant 384 : i32
      %add3A_198 = arith.addi %mul3A_2, %add3A_197 : i32
      %dma_start3A_199 = arith.constant 0 : i32
      %dma_start3A_200 = arith.constant 0 : i32
      %dma_start3A_201 = tpu.memref_slice %arg13[%dma_start3A_199, %dma_start3A_200] : memref<64x129xf32, #tpu.memory_space<vmem>> -> memref<64x128xf32, #tpu.memory_space<vmem>>
      %dma_start3A_202 = arith.constant 0 : i32
      %dma_start3A_203 = tpu.memref_slice %arg4[%scan3A_79, %dma_start3A_202, %add3A_198] : memref<50x64x16384xf32, #tpu.memory_space<hbm>> -> memref<1x64x128xf32, #tpu.memory_space<hbm>>
      %dma_start3A_204 = tpu.memref_squeeze %dma_start3A_203 : memref<1x64x128xf32, #tpu.memory_space<hbm>> -> memref<64x128xf32, #tpu.memory_space<hbm>>
      %dma_start3A_205 = arith.constant 0 : i32
      %dma_start3A_206 = tpu.memref_slice %arg4[%scan3A_79, %dma_start3A_205, %add3A_198] : memref<50x64x16384xf32, #tpu.memory_space<hbm>> -> memref<1x64x128xf32, #tpu.memory_space<hbm>>
      %dma_start3A_207 = tpu.memref_squeeze %dma_start3A_206 : memref<1x64x128xf32, #tpu.memory_space<hbm>> -> memref<64x128xf32, #tpu.memory_space<hbm>>
      %dma_start3A_208 = arith.constant 0 : i32
      %dma_start3A_209 = arith.constant 0 : i32
      %dma_start3A_210 = tpu.memref_slice %arg13[%dma_start3A_208, %dma_start3A_209] : memref<64x129xf32, #tpu.memory_space<vmem>> -> memref<64x128xf32, #tpu.memory_space<vmem>>
      tpu.enqueue_dma source(%dma_start3A_210 : memref<64x128xf32, #tpu.memory_space<vmem>>) target(%dma_start3A_207 : memref<64x128xf32, #tpu.memory_space<hbm>>) target_semaphore(%arg21 : memref<!tpu.dma_semaphore, #tpu.memory_space<semaphore_mem>>)
    }
    %scan3A_19 = arith.constant 50 : i32
    %add3A_20 = arith.constant 0 : i32
    %add3A_21 = arith.addi %mul3A_2, %add3A_20 : i32
    %dma_wait3A = arith.constant 49 : i32
    %dma_wait3A_22 = arith.constant 0 : i32
    %dma_wait3A_23 = arith.constant 0 : i32
    %dma_wait3A_24 = tpu.memref_slice %arg10[%dma_wait3A_22, %dma_wait3A_23] : memref<64x129xf32, #tpu.memory_space<vmem>> -> memref<64x128xf32, #tpu.memory_space<vmem>>
    %dma_wait3A_25 = arith.constant 0 : i32
    %dma_wait3A_26 = tpu.memref_slice %arg4[%dma_wait3A, %dma_wait3A_25, %add3A_21] : memref<50x64x16384xf32, #tpu.memory_space<hbm>> -> memref<1x64x128xf32, #tpu.memory_space<hbm>>
    %dma_wait3A_27 = tpu.memref_squeeze %dma_wait3A_26 : memref<1x64x128xf32, #tpu.memory_space<hbm>> -> memref<64x128xf32, #tpu.memory_space<hbm>>
    %dma_wait3A_28 = arith.constant 0 : i32
    %dma_wait3A_29 = tpu.memref_slice %arg4[%dma_wait3A, %dma_wait3A_28, %add3A_21] : memref<50x64x16384xf32, #tpu.memory_space<hbm>> -> memref<1x64x128xf32, #tpu.memory_space<hbm>>
    %dma_wait3A_30 = tpu.memref_squeeze %dma_wait3A_29 : memref<1x64x128xf32, #tpu.memory_space<hbm>> -> memref<64x128xf32, #tpu.memory_space<hbm>>
    %dma_wait3A_31 = arith.constant 0 : i32
    %dma_wait3A_32 = arith.constant 0 : i32
    %dma_wait3A_33 = tpu.memref_slice %arg10[%dma_wait3A_31, %dma_wait3A_32] : memref<64x129xf32, #tpu.memory_space<vmem>> -> memref<64x128xf32, #tpu.memory_space<vmem>>
    tpu.wait_dma2 semaphore(%arg18 : memref<!tpu.dma_semaphore, #tpu.memory_space<semaphore_mem>>) src(%dma_wait3A_33 : memref<64x128xf32, #tpu.memory_space<vmem>>) dst(%dma_wait3A_30 : memref<64x128xf32, #tpu.memory_space<hbm>>)
    %add3A_34 = arith.constant 128 : i32
    %add3A_35 = arith.addi %mul3A_2, %add3A_34 : i32
    %dma_wait3A_36 = arith.constant 49 : i32
    %dma_wait3A_37 = arith.constant 0 : i32
    %dma_wait3A_38 = arith.constant 0 : i32
    %dma_wait3A_39 = tpu.memref_slice %arg11[%dma_wait3A_37, %dma_wait3A_38] : memref<64x129xf32, #tpu.memory_space<vmem>> -> memref<64x128xf32, #tpu.memory_space<vmem>>
    %dma_wait3A_40 = arith.constant 0 : i32
    %dma_wait3A_41 = tpu.memref_slice %arg4[%dma_wait3A_36, %dma_wait3A_40, %add3A_35] : memref<50x64x16384xf32, #tpu.memory_space<hbm>> -> memref<1x64x128xf32, #tpu.memory_space<hbm>>
    %dma_wait3A_42 = tpu.memref_squeeze %dma_wait3A_41 : memref<1x64x128xf32, #tpu.memory_space<hbm>> -> memref<64x128xf32, #tpu.memory_space<hbm>>
    %dma_wait3A_43 = arith.constant 0 : i32
    %dma_wait3A_44 = tpu.memref_slice %arg4[%dma_wait3A_36, %dma_wait3A_43, %add3A_35] : memref<50x64x16384xf32, #tpu.memory_space<hbm>> -> memref<1x64x128xf32, #tpu.memory_space<hbm>>
    %dma_wait3A_45 = tpu.memref_squeeze %dma_wait3A_44 : memref<1x64x128xf32, #tpu.memory_space<hbm>> -> memref<64x128xf32, #tpu.memory_space<hbm>>
    %dma_wait3A_46 = arith.constant 0 : i32
    %dma_wait3A_47 = arith.constant 0 : i32
    %dma_wait3A_48 = tpu.memref_slice %arg11[%dma_wait3A_46, %dma_wait3A_47] : memref<64x129xf32, #tpu.memory_space<vmem>> -> memref<64x128xf32, #tpu.memory_space<vmem>>
    tpu.wait_dma2 semaphore(%arg19 : memref<!tpu.dma_semaphore, #tpu.memory_space<semaphore_mem>>) src(%dma_wait3A_48 : memref<64x128xf32, #tpu.memory_space<vmem>>) dst(%dma_wait3A_45 : memref<64x128xf32, #tpu.memory_space<hbm>>)
    %add3A_49 = arith.constant 256 : i32
    %add3A_50 = arith.addi %mul3A_2, %add3A_49 : i32
    %dma_wait3A_51 = arith.constant 49 : i32
    %dma_wait3A_52 = arith.constant 0 : i32
    %dma_wait3A_53 = arith.constant 0 : i32
    %dma_wait3A_54 = tpu.memref_slice %arg12[%dma_wait3A_52, %dma_wait3A_53] : memref<64x129xf32, #tpu.memory_space<vmem>> -> memref<64x128xf32, #tpu.memory_space<vmem>>
    %dma_wait3A_55 = arith.constant 0 : i32
    %dma_wait3A_56 = tpu.memref_slice %arg4[%dma_wait3A_51, %dma_wait3A_55, %add3A_50] : memref<50x64x16384xf32, #tpu.memory_space<hbm>> -> memref<1x64x128xf32, #tpu.memory_space<hbm>>
    %dma_wait3A_57 = tpu.memref_squeeze %dma_wait3A_56 : memref<1x64x128xf32, #tpu.memory_space<hbm>> -> memref<64x128xf32, #tpu.memory_space<hbm>>
    %dma_wait3A_58 = arith.constant 0 : i32
    %dma_wait3A_59 = tpu.memref_slice %arg4[%dma_wait3A_51, %dma_wait3A_58, %add3A_50] : memref<50x64x16384xf32, #tpu.memory_space<hbm>> -> memref<1x64x128xf32, #tpu.memory_space<hbm>>
    %dma_wait3A_60 = tpu.memref_squeeze %dma_wait3A_59 : memref<1x64x128xf32, #tpu.memory_space<hbm>> -> memref<64x128xf32, #tpu.memory_space<hbm>>
    %dma_wait3A_61 = arith.constant 0 : i32
    %dma_wait3A_62 = arith.constant 0 : i32
    %dma_wait3A_63 = tpu.memref_slice %arg12[%dma_wait3A_61, %dma_wait3A_62] : memref<64x129xf32, #tpu.memory_space<vmem>> -> memref<64x128xf32, #tpu.memory_space<vmem>>
    tpu.wait_dma2 semaphore(%arg20 : memref<!tpu.dma_semaphore, #tpu.memory_space<semaphore_mem>>) src(%dma_wait3A_63 : memref<64x128xf32, #tpu.memory_space<vmem>>) dst(%dma_wait3A_60 : memref<64x128xf32, #tpu.memory_space<hbm>>)
    %add3A_64 = arith.constant 384 : i32
    %add3A_65 = arith.addi %mul3A_2, %add3A_64 : i32
    %dma_wait3A_66 = arith.constant 49 : i32
    %dma_wait3A_67 = arith.constant 0 : i32
    %dma_wait3A_68 = arith.constant 0 : i32
    %dma_wait3A_69 = tpu.memref_slice %arg13[%dma_wait3A_67, %dma_wait3A_68] : memref<64x129xf32, #tpu.memory_space<vmem>> -> memref<64x128xf32, #tpu.memory_space<vmem>>
    %dma_wait3A_70 = arith.constant 0 : i32
    %dma_wait3A_71 = tpu.memref_slice %arg4[%dma_wait3A_66, %dma_wait3A_70, %add3A_65] : memref<50x64x16384xf32, #tpu.memory_space<hbm>> -> memref<1x64x128xf32, #tpu.memory_space<hbm>>
    %dma_wait3A_72 = tpu.memref_squeeze %dma_wait3A_71 : memref<1x64x128xf32, #tpu.memory_space<hbm>> -> memref<64x128xf32, #tpu.memory_space<hbm>>
    %dma_wait3A_73 = arith.constant 0 : i32
    %dma_wait3A_74 = tpu.memref_slice %arg4[%dma_wait3A_66, %dma_wait3A_73, %add3A_65] : memref<50x64x16384xf32, #tpu.memory_space<hbm>> -> memref<1x64x128xf32, #tpu.memory_space<hbm>>
    %dma_wait3A_75 = tpu.memref_squeeze %dma_wait3A_74 : memref<1x64x128xf32, #tpu.memory_space<hbm>> -> memref<64x128xf32, #tpu.memory_space<hbm>>
    %dma_wait3A_76 = arith.constant 0 : i32
    %dma_wait3A_77 = arith.constant 0 : i32
    %dma_wait3A_78 = tpu.memref_slice %arg13[%dma_wait3A_76, %dma_wait3A_77] : memref<64x129xf32, #tpu.memory_space<vmem>> -> memref<64x128xf32, #tpu.memory_space<vmem>>
    tpu.wait_dma2 semaphore(%arg21 : memref<!tpu.dma_semaphore, #tpu.memory_space<semaphore_mem>>) src(%dma_wait3A_78 : memref<64x128xf32, #tpu.memory_space<vmem>>) dst(%dma_wait3A_75 : memref<64x128xf32, #tpu.memory_space<hbm>>)
    return
  }
}

</mosaic_0001>

<sc_bundles>
// kernel: _emb_lookup.3.cloned.1.call-start
scs
__scs_entry_jumppad:
0x0: {  	(pc) =	sbr.rel $0x88, $3  }
0x1: {  	(tag) =	ssettag $0x0;
	lr =	simm.s32 $0x1  }
0x2: {  	[smem:$0x3F9F] =	sst lr;
	_ =	strace $0xD0000000  }
0x3: {  	_ = 	snop  }
0x4: {  	_ = 	snop  }
0x5: {  	_ = 	snop  }
0x6: {  	_ = 	snop  }
0x7: {  	_ = 	snop  }
__scs_overlays_trampoline_lowered:
0x8: {  	[smem:$0x3FAE] =	sst s0  }
0x9: {  	[smem:$0x3FAF] =	sst s1  }
0xa: {  	[smem:$0x3FB0] =	sst s2  }
0xb: {  	[smem:$0x3FB1] =	sst s3  }
0xc: {  	[smem:$0x3FB2] =	sst s4  }
0xd: {  	[smem:$0x3FB3] =	sst s5  }
0xe: {  	[smem:$0x3FB4] =	sst s6  }
0xf: {  	[smem:$0x3FB5] =	sst s7  }
0x10: {  	[smem:$0x3FB6] =	sst s8  }
0x11: {  	[smem:$0x3FB7] =	sst s9;
	s0 =	simm.s32 @!p0 $0x0  }
0x12: {  	s1 =	sld [smem:$0x3F9D];
	s0 =	simm.s32 @p0 $0x1  }
0x13: {  	[smem:$0x3FB8] =	sst s0;
	s0 =	simm.s32 @!p1 $0x0  }
0x14: {  	s2 =	sld [smem:$0x3F9C];
	s0 =	simm.s32 @p1 $0x1  }
0x15: {  	[smem:$0x3FB9] =	sst s0;
	s0 =	simm.s32 @!p2 $0x0  }
0x16: {  	s3 =	sld [smem:$0x3FDB];
	s0 =	simm.s32 @p2 $0x1  }
0x17: {  	s4 =	simm.s32 $0x1BF5;
	[smem:$0x3FBB] =	sst s0  }
0x18: {  	s0 =	sld [smem:$0x3F9E];
	_ =	swait.ge [sflag:s4], $0x0  }
0x19: {  	s7 =	sld [smem:$0x3F9F]  }
0x1a: {  	s8 =	sadd.s32 $0xFFFFE003, lr  }
0x1b: {  	s9 =	sadd.s32 $0xFFFFFEF7, lr;
	s5 =	simm.s32 $0xFFFFFFFF;
	p2 =	slt.u32 s8, $0xFFFFF086  }
0x1c: {  	p1 =	slt.u32 s9, $0xF7A;
	s5 =	simm.s32 @!p2 $0x0  }
0x1d: {  	s5 =	simm.s32 @p1 $0x1;
	p0 =	seq.s32 s7, s2  }
0x1e: {  	s7 =	smul.u32 @!p0 $0xF7A, s2;
	p2 =	seq.s32 @!p0 s5, $0x0  }
0x1f: {  	s9 =	smul.u32 $0xF7A, s1;
	s8 =	simm.s32 @!p0 $0x1BF5;
	p2 =	por !p2, p0  }
0x20: {  	[sflag:s8] =	ssyncset.s32 @!p0 $0xFFFFF086;
	s6 =	sadd.s32 @!p0 s3, s7;
	s7 =	simm.s32 @!p0 $0x108  }
0x21: {  	s3 =	sadd.s32 s3, s9;
	s6 =	sadd.s32 @!p0 $0x88, s6;
	s7 =	simm.s32 @p2 $0x1082  }
0x22: {  	[simem:s7], [sflag:s8] =	dma.local @!p0 [hbm:s6], $0xF7A  }
0x23: {  	s9 =	sor.u32 $0xD0000000, s2;
	s6 =	simm.s32 $0x108;
	_ =	swait.ge @!p0 [sflag:s8], $0x0  }
0x24: {  	s3 =	sadd.s32 $0x88, s3;
	s6 =	simm.s32 @!p1 $0x1082;
	[sflag:s4] =	ssyncset.s32 $0xFFFFF086  }
0x25: {  	[simem:s6], [sflag:s4] =	dma.local [hbm:s3], $0xF7A  }
0x26: {  	[smem:$0x3F9F] =	sst s1;
	(tag) =	ssettag s2;
	_ =	strace s9  }
0x27: {  	s1 =	sld [smem:$0x3FAF]  }
0x28: {  	s2 =	sld [smem:$0x3FB0]  }
0x29: {  	s4 =	sld [smem:$0x3FB2]  }
0x2a: {  	p0 =	seq.s32 s5, $0x0;
	s5 =	sld [smem:$0x3FB3]  }
0x2b: {  	s6 =	sld [smem:$0x3FB4]  }
0x2c: {  	s7 =	sld [smem:$0x3FB5]  }
0x2d: {  	s3 =	simm.s32 $0x108;
	s8 =	sld [smem:$0x3FB6]  }
0x2e: {  	s3 =	simm.s32 @!p0 $0x1082;
	s9 =	sld [smem:$0x3FB7]  }
0x2f: {  	lr =	sadd.s32 s0, s3;
	s0 =	sld [smem:$0x3FAE]  }
0x30: {  	s3 =	sld [smem:$0x3FB1]  }
0x31: {  	[smem:$0x3FBA] =	sst s10  }
0x32: {  	s10 =	sld [smem:$0x3FB8];
	_ =	sdelay $0x3  }
0x33: {  	p0 =	seq.s32 s10, $0x1;
	s10 =	sld [smem:$0x3FBA];
	_ =	sdelay $0x3  }
0x34: {  	[smem:$0x3FBA] =	sst s10  }
0x35: {  	s10 =	sld [smem:$0x3FB9];
	_ =	sdelay $0x3  }
0x36: {  	p1 =	seq.s32 s10, $0x1;
	s10 =	sld [smem:$0x3FBA];
	_ =	sdelay $0x3  }
0x37: {  	[smem:$0x3FBA] =	sst s10  }
0x38: {  	s10 =	sld [smem:$0x3FBB]  }
0x39: {  	_ = 	snop;
	(pc) =	sbr.ind lr, $3  }
0x3a: {  	_ = 	snop  }
0x3b: {  	_ = 	snop  }
0x3c: {  	p2 =	seq.s32 s10, $0x1;
	s10 =	sld [smem:$0x3FBA]  }
0x3d: {  	_ =	shalt  }
0x3e: {  	_ =	shalt  }
0x3f: {  	_ =	shalt  }
0x40: {  	_ =	shalt  }
0x41: {  	_ =	shalt  }
0x42: {  	_ =	shalt  }
0x43: {  	_ =	shalt  }
0x44: {  	_ =	shalt  }
0x45: {  	_ =	shalt  }
0x46: {  	_ =	shalt  }
0x47: {  	_ =	shalt  }
0x48: {  	_ =	shalt  }
0x49: {  	_ =	shalt  }
0x4a: {  	_ =	shalt  }
0x4b: {  	_ =	shalt  }
0x4c: {  	_ =	shalt  }
0x4d: {  	_ =	shalt  }
0x4e: {  	_ =	shalt  }
0x4f: {  	_ =	shalt  }
0x50: {  	_ =	shalt  }
0x51: {  	_ =	shalt  }
0x52: {  	_ =	shalt  }
0x53: {  	_ =	shalt  }
0x54: {  	_ =	shalt  }
0x55: {  	_ =	shalt  }
0x56: {  	_ =	shalt  }
0x57: {  	_ =	shalt  }
0x58: {  	_ =	shalt  }
0x59: {  	_ =	shalt  }
0x5a: {  	_ =	shalt  }
0x5b: {  	_ =	shalt  }
0x5c: {  	_ =	shalt  }
0x5d: {  	_ =	shalt  }
0x5e: {  	_ =	shalt  }
0x5f: {  	_ =	shalt  }
0x60: {  	_ =	shalt  }
0x61: {  	_ =	shalt  }
0x62: {  	_ =	shalt  }
0x63: {  	_ =	shalt  }
0x64: {  	_ =	shalt  }
0x65: {  	_ =	shalt  }
0x66: {  	_ =	shalt  }
0x67: {  	_ =	shalt  }
0x68: {  	_ =	shalt  }
0x69: {  	_ =	shalt  }
0x6a: {  	_ =	shalt  }
0x6b: {  	_ =	shalt  }
0x6c: {  	_ =	shalt  }
0x6d: {  	_ =	shalt  }
0x6e: {  	_ =	shalt  }
0x6f: {  	_ =	shalt  }
0x70: {  	_ =	shalt  }
0x71: {  	_ =	shalt  }
0x72: {  	_ =	shalt  }
0x73: {  	_ =	shalt  }
0x74: {  	_ =	shalt  }
0x75: {  	_ =	shalt  }
0x76: {  	_ =	shalt  }
0x77: {  	_ =	shalt  }
0x78: {  	_ =	shalt  }
0x79: {  	_ =	shalt  }
0x7a: {  	_ =	shalt  }
0x7b: {  	_ =	shalt  }
0x7c: {  	_ =	shalt  }
0x7d: {  	_ =	shalt  }
0x7e: {  	_ =	shalt  }
0x7f: {  	_ =	shalt  }
0x80: {  	_ =	shalt  }
0x81: {  	_ =	shalt  }
0x82: {  	_ =	shalt  }
0x83: {  	_ =	shalt  }
0x84: {  	_ =	shalt  }
0x85: {  	_ =	shalt  }
0x86: {  	_ =	shalt  }
0x87: {  	_ =	shalt  }
.Lfunc_end0:
.L_simem_size_0:
called_computation_lowered:
.L_overlay_start_0:
0x88: {  	s2 =	sld [smem:$0x3FD9]  }
0x89: {  	s3 =	sld [smem:$0x3FFE];
	_ =	sdelay $0x1  }
0x8a: {  	s1 =	srdreg.scid  }
0x8b: {  	s0 =	sand.u32 $0x1, s1  }
0x8c: {  	s17 =	sshll.u32 s0, $0xA;
	s2 =	sadd.s32 s3, s2  }
0x8d: {  	s2 =	sadd.s32 s2, s17  }
0x8e: {  	[smem:$0x3FC6] =	sst s2  }
0x8f: {  	_ = 	snop  }
0x90: {  	s2 =	sld [smem:$0x3FD0];
	(tm) =	ssettm $0x1  }
0x91: {  	s18 =	sld [smem:$0x3FFB];
	_ =	sdelay $0x3  }
0x92: {  	_ =	strace s18  }
0x93: {  	s3 =	sld [smem:$0x3FFC];
	_ =	sdelay $0x3  }
0x94: {  	_ =	strace s3  }
0x95: {  	s3 =	sld [smem:$0x3FFD];
	_ =	sdelay $0x3  }
0x96: {  	_ =	strace s3  }
0x97: {  	_ =	strace $0x8FFFFFFF  }
0x98: {  	s19 =	sld [smem:$0x3FDB];
	_ =	sdelay $0x1  }
0x99: {  	s4 =	simm.s32 $_scs_section_size  }
0x9a: {  	s5 =	simm.s32 $_size__tile_overlayer_lowered;
	s6 =	simm.s32 $_tile_overlayer_lowered  }
0x9b: {  	s22 =	simm.s32 $0x1BFF;
	s21 =	sshll.u32 s6, $0x1;
	s3 =	sadd.s32 s4, s19  }
0x9c: {  	s7 =	simm.s32 $0x0;
	s20 =	sshll.u32 s5, $0x1;
	s5 =	sadd.s32 s21, s3  }
0x9d: {  	[timem:s7], [sflag:s22] =	dma.local [hbm:s5], s20  }
0x9e: {  	_ =	swait.ge [sflag:s22], s20  }
0x9f: {  	s4 =	ssub.s32 $0x0, s20;
	[sflag:s22] =	ssyncset.done $0x0  }
0xa0: {  	[sflag:s22] =	ssyncadd.s32 s4;
	_ =	sdelay $0x1  }
0xa1: {  	s23 =	simm.s32 $0x1B8B  }
0xa2: {  	_ =	swait.ge [sflag:s23], $0x1  }
0xa3: {  	[sflag:s23] =	ssyncset.done $0x0  }
0xa4: {  	s25 =	simm.s32 $0x1B8E;
	s24 =	sld [smem:$0x3FFE];
	[sflag:s23] =	ssyncadd.s32 $0xFFFFFFFF  }
0xa5: {  	s26 =	simm.s32 $execute0_lowered;
	[smem:$0x3FD2] =	sst s25  }
0xa6: {  	s5 =	sshll.u32 s26, $0x1;
	_ =	strace $0x80000046;
	[dreg:$0x1] =	wrdreg $0xFFFFFFFF  }
0xa7: {  	s28 =	simm.s32 $_size_execute0_lowered;
	s3 =	sadd.s32 s3, s5;
	[dreg:$0x0] =	wrdreg $0x0  }
0xa8: {  	s5 =	sshll.u32 s28, $0x1;
	[dreg:$0x2] =	wrdreg s3  }
0xa9: {  	[dreg:$0x3] =	wrdreg s5  }
0xaa: {  	[dreg:$0x4] =	wrdreg $0xC0  }
0xab: {  	_ =	task [dreg:s7], $0x5FFFF  }
0xac: {  	[dreg:$0x1] =	wrdreg $0xFFFFFFFF  }
0xad: {  	[dreg:$0x0] =	wrdreg $0x60  }
0xae: {  	[dreg:$0x2] =	wrdreg s2  }
0xaf: {  	[dreg:$0x3] =	wrdreg s24  }
0xb0: {  	[dreg:$0x4] =	wrdreg $0x9  }
0xb1: {  	_ =	task.clear_ibuf [dreg:s7], $0x5FFFF;
	_ =	strace $0x90000046  }
0xb2: {  	s29 =	simm.s32 $0x9;
	_ =	strace $0x80000048  }
0xb3: {  	_ =	swait.ge [sflag:s29], $0x1  }
0xb4: {  	[sflag:s29] =	ssyncadd.s32 $0xFFFFFFFF  }
0xb5: {  	_ =	strace $0x90000048  }
0xb6: {  	_ =	sfence  }
0xb7: {  	s30 =	sld [smem:$0x0];
	_ =	sdelay $0x2  }
0xb8: {  	s31 =	sshll.u32 s1, $0xD;
	s1 =	sshrl.u32 s1, $0x2  }
0xb9: {  	s3 =	sand.u32 $0x4000, s31;
	s1 =	sadd.s32 s1, s30  }
0xba: {  	s0 =	sor.u32 s3, s0;
	s1 =	sshll.u32 s1, $0x11  }
0xbb: {  	s0 =	sor.u32 s1, s0  }
0xbc: {  	s0 =	sadd.s32 $0x8F2B, s0  }
0xbd: {  	[sflag:s0] =	ssyncadd.remote.s32 $0x1  }
0xbe: {  	_ =	sfence.sel $0xFFFF  }
0xbf: {  	[dreg:$0x0] =	wrdreg $0xFFFFFFFF;
	(pc) =	sbr.abs _section_cstart, $3  }
0xc0: {  	[dreg:$0x1] =	wrdreg $0xFFFFFFFF  }
0xc1: {  	_ =	task.clear_ibuf [dreg:s7], $0x2FFFF;
	_ =	strace $0x9FFFFFFF  }
0xc2: {  	(tm) =	ssettm $0x7FFFFFFF  }
0xc3: {  	_ =	shalt  }
tec
execute0_lowered:
.L_overlay_start_1:
0x0: {  	(tag) =	ssettag $0x1  }
0x1: {  	s6 =	rddreg [dreg:$0x0];
	v0 =	vlaneseq.u32  }
0x2: {  	s5 =	rddreg [dreg:$0x1];
	s1 =	simm.s32 $0x0;
	v11 =	vmul.u32 $0x88, v0  }
0x3: {  	[smem:$0x7FF] =	sst s1  }
0x4: {  	s0 =	rddreg [dreg:$0x2];
	_ =	strace $0x80000047;
	v0 =	vadd.s32 $0x1981, v11;
	[tilespmem:$0x1FE50] =	vst v11  }
0x5: {  	v24 =	vadd.s32 $0x880, v11;
	[tilespmem:$0x1FE10] =	vst v0  }
0x6: {  	v19 =	vadd.s32 $0x1100, v11;
	[tilespmem:$0x1FE60] =	vst v24  }
0x7: {  	v8 =	vadd.s32 $0x1980, v11;
	[tilespmem:$0x1FE70] =	vst v19  }
0x8: {  	v4 =	vor.u32 $0x1, v11;
	[tilespmem:$0x1FE80] =	vst v8  }
0x9: {  	v14 =	vadd.s32 $0x881, v11;
	[tilespmem:$0x1FE90] =	vst v4  }
0xa: {  	v18 =	vadd.s32 $0x1101, v11;
	[tilespmem:$0x1FEA0] =	vst v14  }
0xb: {  	v13 =	vor.u32 $0x2, v11;
	[tilespmem:$0x1FEB0] =	vst v18  }
0xc: {  	v7 =	vadd.s32 $0x882, v11;
	[tilespmem:$0x1FEC0] =	vst v13  }
0xd: {  	v21 =	vadd.s32 $0x1102, v11;
	[tilespmem:$0x1FED0] =	vst v7  }
0xe: {  	v22 =	vadd.s32 $0x1982, v11;
	[tilespmem:$0x1FEE0] =	vst v21  }
0xf: {  	v25 =	vor.u32 $0x3, v11;
	[tilespmem:$0x1FEF0] =	vst v22  }
0x10: {  	v9 =	vadd.s32 $0x883, v11;
	[tilespmem:$0x1FF00] =	vst v25  }
0x11: {  	v23 =	vadd.s32 $0x1983, v11;
	[tilespmem:$0x1FF10] =	vst v9  }
0x12: {  	v30 =	vor.u32 $0x4, v11;
	[tilespmem:$0x1FF20] =	vst v23  }
0x13: {  	v5 =	vadd.s32 $0x884, v11;
	[tilespmem:$0x1FF30] =	vst v30  }
0x14: {  	v27 =	vadd.s32 $0x1984, v11;
	[tilespmem:$0x1FF40] =	vst v5  }
0x15: {  	v28 =	vor.u32 $0x5, v11;
	[tilespmem:$0x1FF50] =	vst v27  }
0x16: {  	v10 =	vadd.s32 $0x885, v11;
	[tilespmem:$0x1FF60] =	vst v28  }
0x17: {  	v12 =	vadd.s32 $0x1105, v11;
	[tilespmem:$0x1FF70] =	vst v10  }
0x18: {  	s3 =	srdreg.scid;
	s2 =	stileid.u32;
	v31 =	vadd.s32 $0x1985, v11;
	[tilespmem:$0x1FF80] =	vst v12  }
0x19: {  	s9 =	simm.s32 $0x4000;
	s10 =	simm.s32 $0x9;
	s11 =	simm.s32 $0x80;
	v32 =	vor.u32 $0x6, v11;
	[tilespmem:$0x1FF90] =	vst v31  }
0x1a: {  	s12 =	simm.s32 $0xC400;
	s13 =	simm.s32 $0x1;
	s14 =	simm.s32 $0xE400;
	v16 =	vadd.s32 $0x886, v11;
	[tilespmem:$0x1FFA0] =	vst v32  }
0x1b: {  	s15 =	simm.s32 $0x2;
	s16 =	simm.s32 $0x10600;
	s17 =	simm.s32 $0x3;
	v29 =	vadd.s32 $0x1106, v11;
	[tilespmem:$0x1FFB0] =	vst v16  }
0x1c: {  	s18 =	simm.s32 $0x12800;
	s19 =	simm.s32 $0x4;
	s20 =	simm.s32 $0x14A00;
	v17 =	vadd.s32 $0x1986, v11;
	[tilespmem:$0x1FFC0] =	vst v29  }
0x1d: {  	s21 =	simm.s32 $0x5;
	s22 =	simm.s32 $0x6;
	s23 =	simm.s32 $0x7;
	v0 =	vadd.s32 $0x1103, v11;
	[tilespmem:$0x1FFD0] =	vst v17  }
0x1e: {  	s24 =	simm.s32 $0x8;
	s25 =	simm.s32 $0x0;
	s3 =	sand.u32 $0x1, s3;
	[tilespmem:$0x1FE20] =	vst v0;
	v0 =	vadd.s32 $0x1104, v11  }
0x1f: {  	s4 =	sshll.u32 s2, $0xA;
	s7 =	ssub.s32 $0x2, s3;
	s3 =	sshll.u32 s3, $0x9;
	v15 =	vor.u32 $0x7, v11;
	[tilespmem:$0x1FE30] =	vst v0;
	v0 =	vadd.s32 $0x1987, v11  }
0x20: {  	s8 =	sshrl.u32 s7, $0x1;
	s3 =	sor.u32 s3, s4;
	s4 =	sadd.s32 $0xF42A00, s5;
	v6 =	vadd.s32 $0x1107, v11;
	[tilespmem:$0x1FFE0] =	vst v15  }
0x21: {  	v1 =	vimm.s32 $0x0;
	vm0 =	vcmask $0x300;
	s5 =	sadd.s32 $0x600, s5;
	s7 =	ssub.s32 s7, s8;
	s31 =	sshrl.u32 s3, $0x3;
	[tilespmem:$0x1FFF0] =	vst v6  }
0x22: {  	v1 =	vsel vm0, $0x3, v1;
	v63 =	vadd.s32 $0x887, v11;
	s8 =	simm.s32 $0x200;
	s6 =	sadd.s32 s6, s31;
	s7 =	smax.u32 s7, $0x1;
	[tilespmem:$0x1FE40] =	vst v0;
	v0 =	vmov v12  }
.LBB2_1:
0x23: {  	[tilespmem:s1], [sflag:$0x9] =	stream.strided.gather [hbm4b:s6+s8], $0x6400, s9, s8, $0x38;
	[tilespmem:$0x16C00] =	vst v63  }
0x24: {  	_ =	swait.ge [sflag:s10], $0x6400  }
0x25: {  	[sflag:s10] =	ssyncset.done $0x0  }
0x26: {  	s26 =	simm.s32 $0x0;
	[sflag:s10] =	ssyncadd.s32 $0xFFFF9C00  }
.LBB2_2:
0x27: {  	p0 =	sne.s32 s26, $0x0  }
0x28: {  	s28 =	simm.s32 @p0 $0x5  }
0x29: {  	_ =	swait.ge @p0 [sflag:s28], $0x2000  }
0x2a: {  	[sflag:s28] =	ssyncset.done @p0 $0x0  }
0x2b: {  	[sflag:s28] =	ssyncadd.s32 @p0 $0xFFFFE000;
	s28 =	sshll.u32 @p0 s26, $0x9  }
0x2c: {  	s29 =	simm.s32 @p0 $0x80;
	s30 =	simm.s32 @p0 $0x6400;
	s28 =	sand.u32 @p0 $0x3FFFFE00, s28  }
0x2d: {  	[tilespmem:s30], [sflag:$0x1] =	stream.indirect.gather @p0 [hbm4b:s4+s29], $0x40, s28, s29, $0xb8;
	[tilespmem:$0x16C00] =	vst v63  }
0x2e: {  	s30 =	simm.s32 @p0 $0x6  }
0x2f: {  	_ =	swait.ge @p0 [sflag:s30], $0x2000  }
0x30: {  	[sflag:s30] =	ssyncset.done @p0 $0x0  }
0x31: {  	s31 =	simm.s32 @p0 $0x8400;
	[sflag:s30] =	ssyncadd.s32 @p0 $0xFFFFE000;
	s30 =	sor.u32 @p0 $0x80, s28  }
0x32: {  	[tilespmem:s31], [sflag:$0x2] =	stream.indirect.gather @p0 [hbm4b:s4+s29], $0x40, s30, s29, $0xb8;
	[tilespmem:$0x16C00] =	vst v63  }
0x33: {  	s30 =	simm.s32 @p0 $0x7  }
0x34: {  	_ =	swait.ge @p0 [sflag:s30], $0x2000  }
0x35: {  	[sflag:s30] =	ssyncset.done @p0 $0x0  }
0x36: {  	s31 =	simm.s32 @p0 $0xA400;
	[sflag:s30] =	ssyncadd.s32 @p0 $0xFFFFE000;
	s30 =	sor.u32 @p0 $0x100, s28  }
0x37: {  	[tilespmem:s31], [sflag:$0x3] =	stream.indirect.gather @p0 [hbm4b:s4+s29], $0x40, s30, s29, $0xb8;
	[tilespmem:$0x16C00] =	vst v63  }
0x38: {  	s29 =	simm.s32 @p0 $0x8  }
0x39: {  	_ =	swait.ge @p0 [sflag:s29], $0x2000  }
0x3a: {  	s30 =	simm.s32 @!p0 $0x0;
	[sflag:s29] =	ssyncset.done @p0 $0x0  }
0x3b: {  	s31 =	simm.s32 @!p0 $0x6400;
	[sflag:s29] =	ssyncadd.s32 @p0 $0xFFFFE000;
	s29 =	simm.s32 @!p0 $0x80  }
0x3c: {  	[tilespmem:s31], [sflag:$0x1] =	stream.indirect.gather @!p0 [hbm4b:s4+s29], $0x40, s30, s29, $0xb8;
	[tilespmem:$0x16C00] =	vst v63  }
0x3d: {  	s30 =	simm.s32 @!p0 $0x8400  }
0x3e: {  	[tilespmem:s30], [sflag:$0x2] =	stream.indirect.gather @!p0 [hbm4b:s4+s29], $0x40, s29, s29, $0xb8;
	[tilespmem:$0x16C00] =	vst v63  }
0x3f: {  	s31 =	simm.s32 @!p0 $0xA400;
	s30 =	simm.s32 @!p0 $0x100  }
0x40: {  	[tilespmem:s31], [sflag:$0x3] =	stream.indirect.gather @!p0 [hbm4b:s4+s29], $0x40, s30, s29, $0xb8;
	[tilespmem:$0x16C00] =	vst v63  }
0x41: {  	s28 =	simm.s32 @!p0 $0x0;
	s29 =	simm.s32 $0x0;
	s30 =	simm.s32 $0x3  }
0x42: {  	s28 =	sadd.s32 $0x180, s28;
	v33 =	vmov s29;
	s29 =	simm.s32 $0x2;
	v36 =	vmov s30;
	s30 =	simm.s32 $0x6  }
0x43: {  	[tilespmem:s12], [sflag:$0x4] =	stream.indirect.gather [hbm4b:s4+s11], $0x40, s28, s11, $0xb8;
	v33 =	vshrl.u32 v33, $0x3;
	[tilespmem:$0x16C00] =	vst v63  }
0x44: {  	s28 =	simm.s32 $0x1;
	v35 =	vmov s29;
	s29 =	simm.s32 $0x5;
	v39 =	vmov s30;
	v36 =	vshrl.u32 v36, $0x3  }
0x45: {  	v34 =	vmov s28;
	s28 =	simm.s32 $0x4;
	v38 =	vmov s29;
	_ =	swait.ge [sflag:s13], $0x2000;
	v33 =	vshll.u32 v33, v1  }
0x46: {  	v35 =	vshrl.u32 v35, $0x3;
	v42 =	vshrl.u32 v39, $0x3;
	v37 =	vmov s28;
	s28 =	simm.s32 $0x7;
	[sflag:s13] =	ssyncset.done $0x0  }
0x47: {  	v34 =	vshrl.u32 v34, $0x3;
	v2 =	vbroadcast v33, $0x0;
	v40 =	vmov s28;
	[sflag:s13] =	ssyncadd.s32 $0xFFFFE000;
	s28 =	simm.s32 $0x6500  }
0x48: {  	v35 =	vshll.u32 v35, v1;
	v37 =	vshrl.u32 v37, $0x3;
	v34 =	vshll.u32 v34, v1;
	v43 =	vld [tilespmem:s28+$0xFFFFFF00]  }
0x49: {  	v40 =	vshrl.u32 v40, $0x3;
	v44 =	vshll.u32 v37, v1;
	v45 =	vld [tilespmem:s28+$0xFFFFFF40];
	v12 =	vbroadcast v34, $0x0  }
0x4a: {  	v62 =	vadd.s32 v11, v2;
	v47 =	vld [tilespmem:s28+$0xFFFFFF80];
	v37 =	vbroadcast v35, $0x0;
	v40 =	vshll.u32 v40, v1  }
0x4b: {  	v36 =	vshll.u32 v36, v1;
	v60 =	vld [tilespmem:s28+$0xC0];
	v3 =	vbroadcast v40, $0x0;
	v48 =	vadd.s32 v4, v12  }
0x4c: {  	v38 =	vshrl.u32 v38, $0x3;
	v36 =	vbroadcast v36, $0x0;
	v49 =	vld [tilespmem:s28+$0xFFFFFFC0];
	v50 =	vadd.s32 v13, v37  }
0x4d: {  	v42 =	vshll.u32 v42, v1;
	v51 =	vld [tilespmem:s28+$0x0];
	v46 =	vadd.s32 v15, v3;
	v43 =	vmul.f32 $8.000000000e+00, v43  }
0x4e: {  	v52 =	vadd.s32 v25, v36;
	v53 =	vld [tilespmem:s28+$0x40];
	v35 =	vbroadcast v44, $0x0;
	v45 =	vmul.f32 $8.000000000e+00, v45  }
0x4f: {  	v61 =	vshll.u32 v38, v1;
	v55 =	vld [tilespmem:s28+$0x80];
	v34 =	vbroadcast v42, $0x0;
	v59 =	vmul.f32 $8.000000000e+00, v47;
	[tilespmem:v62+s14+$0x0] =	vst.idx.msk $0xffff, v43  }
0x50: {  	v33 =	vbroadcast v61, $0x0;
	v54 =	vadd.s32 v30, v35;
	v57 =	vmul.f32 $8.000000000e+00, v60;
	[tilespmem:v48+s14+$0x0] =	vst.idx.msk $0xffff, v45  }
0x51: {  	v60 =	vmul.f32 $8.000000000e+00, v49;
	v47 =	vadd.s32 v32, v34;
	[tilespmem:v50+s14+$0x0] =	vst.idx.msk $0xffff, v59;
	v49 =	vld [tilespmem:s28+$0xFFFFFF50]  }
0x52: {  	v43 =	vadd.s32 v28, v33;
	[tilespmem:v46+s14+$0x0] =	vst.idx.msk $0xffff, v57;
	v46 =	vld [tilespmem:s28+$0xFFFFFF10]  }
0x53: {  	v61 =	vmul.f32 $8.000000000e+00, v51;
	[tilespmem:v52+s14+$0x0] =	vst.idx.msk $0xffff, v60;
	v57 =	vld [tilespmem:s28+$0xFFFFFF90]  }
0x54: {  	s29 =	simm.s32 $0x8;
	v38 =	vmul.f32 $8.000000000e+00, v55;
	v62 =	vmul.f32 $8.000000000e+00, v53;
	v53 =	vadd.s32 v14, v12;
	v44 =	vld [tilespmem:s28+$0xD0];
	[tilespmem:$0x1FE00] =	vst v12  }
0x55: {  	v58 =	vmov s29;
	v56 =	vadd.s32 v24, v2;
	[tilespmem:v54+s14+$0x0] =	vst.idx.msk $0xffff, v61  }
0x56: {  	v42 =	vshrl.u32 v58, $0x3;
	v55 =	vadd.s32 v7, v37;
	v58 =	vld [tilespmem:s28+$0xFFFFFFD0];
	[tilespmem:v47+s14+$0x0] =	vst.idx.msk $0xffff, v38  }
0x57: {  	v50 =	vadd.s32 v63, v3;
	v59 =	vld [tilespmem:s28+$0x10];
	[tilespmem:v43+s14+$0x0] =	vst.idx.msk $0xffff, v62;
	v47 =	vmul.f32 $8.000000000e+00, v49  }
0x58: {  	s29 =	simm.s32 $0x9;
	v60 =	vld [tilespmem:s28+$0x50];
	v45 =	vmul.f32 $8.000000000e+00, v46;
	v46 =	vadd.s32 v9, v36  }
0x59: {  	v48 =	vmov s29;
	s29 =	simm.s32 $0xA;
	v49 =	vadd.s32 v5, v35;
	v39 =	vmul.f32 $8.000000000e+00, v57;
	[tilespmem:v53+s14+$0x0] =	vst.idx.msk $0xffff, v47  }
0x5a: {  	v51 =	vmov s29;
	s29 =	simm.s32 $0xB;
	v61 =	vld [tilespmem:s28+$0x90];
	v43 =	vmul.f32 $8.000000000e+00, v44;
	[tilespmem:v56+s14+$0x0] =	vst.idx.msk $0xffff, v45  }
0x5b: {  	v52 =	vmov s29;
	s29 =	simm.s32 $0xC;
	v45 =	vadd.s32 v10, v33;
	v62 =	vmul.f32 $8.000000000e+00, v58;
	v57 =	vld [tilespmem:s28+$0xFFFFFF60];
	[tilespmem:v55+s14+$0x0] =	vst.idx.msk $0xffff, v39  }
0x5c: {  	v54 =	vmov s29;
	s29 =	simm.s32 $0xD;
	v53 =	vadd.s32 v16, v34;
	[tilespmem:v50+s14+$0x0] =	vst.idx.msk $0xffff, v43;
	v39 =	vmul.f32 $8.000000000e+00, v59;
	v59 =	vld [tilespmem:s28+$0xFFFFFFA0]  }
0x5d: {  	v44 =	vmov s29;
	s29 =	simm.s32 $0xE;
	v50 =	vld [tilespmem:s28+$0xE0];
	[tilespmem:v46+s14+$0x0] =	vst.idx.msk $0xffff, v62;
	v46 =	vmul.f32 $8.000000000e+00, v60;
	v60 =	vadd.s32 v18, v12  }
0x5e: {  	v38 =	vmov s29;
	v55 =	vadd.s32 v6, v3;
	v56 =	vld [tilespmem:s28+$0xFFFFFF20];
	[tilespmem:v49+s14+$0x0] =	vst.idx.msk $0xffff, v39;
	v49 =	vadd.s32 v21, v37  }
0x5f: {  	v58 =	vadd.s32 v19, v2;
	v43 =	vshll.u32 v42, v1;
	v47 =	vmul.f32 $8.000000000e+00, v61  }
0x60: {  	v42 =	vshrl.u32 v38, $0x3;
	v38 =	vbroadcast v43, $0x0;
	[tilespmem:v45+s14+$0x0] =	vst.idx.msk $0xffff, v46;
	v43 =	vmul.f32 $8.000000000e+00, v57  }
0x61: {  	v12 =	vld [tilespmem:$0x1FE20];
	[tilespmem:v53+s14+$0x0] =	vst.idx.msk $0xffff, v47;
	v46 =	vmul.f32 $8.000000000e+00, v59  }
0x62: {  	v41 =	vshrl.u32 v44, $0x3;
	v44 =	vmul.f32 $8.000000000e+00, v50;
	v20 =	vld [tilespmem:$0x1FE30];
	[tilespmem:v60+s14+$0x0] =	vst.idx.msk $0xffff, v43  }
0x63: {  	v50 =	vmul.f32 $8.000000000e+00, v56;
	[tilespmem:v49+s14+$0x0] =	vst.idx.msk $0xffff, v46  }
0x64: {  	[tilespmem:v55+s14+$0x0] =	vst.idx.msk $0xffff, v44  }
0x65: {  	v8 =	vmov v24;
	v24 =	vmov v29;
	v51 =	vshrl.u32 v51, $0x3;
	[tilespmem:v58+s14+$0x0] =	vst.idx.msk $0xffff, v50  }
0x66: {  	v55 =	vadd.s32 v0, v33;
	v44 =	vshll.u32 v51, v1;
	v51 =	vadd.s32 v29, v34;
	v29 =	vmovc v0;
	v0 =	vld [tilespmem:$0x1FE40];
	_ =	sdelay $0x1  }
0x67: {  	v62 =	vld [tilespmem:s28+$0xFFFFFFE0];
	_ =	sdelay $0x1  }
0x68: {  	v39 =	vadd.s32 v12, v36  }
0x69: {  	v53 =	vadd.s32 v0, v3;
	v0 =	vld [tilespmem:$0x1FE80];
	_ =	sdelay $0x1  }
0x6a: {  	v26 =	vmov v19;
	v19 =	vmov v63;
	v63 =	vld [tilespmem:s28+$0x20];
	v62 =	vmul.f32 $8.000000000e+00, v62  }
0x6b: {  	v40 =	vld [tilespmem:s28+$0x60]  }
0x6c: {  	v48 =	vshrl.u32 v48, $0x3;
	v61 =	vld [tilespmem:s28+$0xA0];
	[tilespmem:v39+s14+$0x0] =	vst.idx.msk $0xffff, v62  }
0x6d: {  	v47 =	vshll.u32 v48, v1;
	v48 =	vadd.s32 v0, v2;
	v0 =	vld [tilespmem:$0x1FE10]  }
0x6e: {  	v52 =	vshrl.u32 v52, $0x3;
	v57 =	vadd.s32 v20, v35;
	v2 =	vld [tilespmem:$0x1FE00]  }
0x6f: {  	v45 =	vshll.u32 v52, v1;
	v52 =	vld [tilespmem:s28+$0xFFFFFF70]  }
0x70: {  	v56 =	vld [tilespmem:s28+$0xF0]  }
0x71: {  	v54 =	vshrl.u32 v54, $0x3;
	v63 =	vmul.f32 $8.000000000e+00, v63;
	v50 =	vld [tilespmem:s28+$0xFFFFFF30]  }
0x72: {  	v46 =	vshll.u32 v54, v1;
	v43 =	vshll.u32 v41, v1;
	v49 =	vld [tilespmem:s28+$0xFFFFFFB0]  }
0x73: {  	s30 =	simm.s32 $0xF;
	s29 =	simm.s32 $0x10;
	v39 =	vmul.f32 $8.000000000e+00, v40;
	v40 =	vmul.f32 $8.000000000e+00, v61;
	v54 =	vld [tilespmem:s28+$0xFFFFFFF0];
	[tilespmem:v57+s14+$0x0] =	vst.idx.msk $0xffff, v63;
	v41 =	vadd.s32 v0, v2  }
.LBB2_3:
0x74: {  	v57 =	vmov s30;
	v58 =	vld [tilespmem:s28+$0x30]  }
0x75: {  	v37 =	vadd.s32 v22, v37;
	v36 =	vadd.s32 v23, v36;
	[tilespmem:v55+s14+$0x0] =	vst.idx.msk $0xffff, v39;
	v60 =	vmul.f32 $8.000000000e+00, v56  }
0x76: {  	v35 =	vadd.s32 v27, v35;
	v61 =	vshrl.u32 v57, $0x3;
	[tilespmem:v51+s14+$0x0] =	vst.idx.msk $0xffff, v40;
	v62 =	vld [tilespmem:s28+$0x70];
	v50 =	vmul.f32 $8.000000000e+00, v50  }
0x77: {  	v39 =	vmov v38;
	v38 =	vshll.u32 v61, v1;
	v63 =	vmul.f32 $8.000000000e+00, v52;
	v52 =	vld [tilespmem:s28+$0xB0];
	s28 =	sadd.s32 $0x200, s28;
	[tilespmem:v53+s14+$0x0] =	vst.idx.msk $0xffff, v60  }
0x78: {  	v33 =	vadd.s32 v31, v33;
	v40 =	vbroadcast v38, $0x0;
	v55 =	vmul.f32 $8.000000000e+00, v49;
	[tilespmem:v48+s14+$0x0] =	vst.idx.msk $0xffff, v50;
	v53 =	vld [tilespmem:s28+$0xC0]  }
0x79: {  	v42 =	vshll.u32 v42, v1;
	v34 =	vadd.s32 v17, v34;
	[tilespmem:v41+s14+$0x0] =	vst.idx.msk $0xffff, v63;
	v60 =	vmul.f32 $8.000000000e+00, v58;
	v48 =	vld [tilespmem:s28+$0xFFFFFF00]  }
0x7a: {  	v57 =	vmul.f32 $8.000000000e+00, v54;
	v41 =	vbroadcast v47, $0x0;
	v47 =	vadd.s32 v15, v40;
	[tilespmem:v37+s14+$0x0] =	vst.idx.msk $0xffff, v55;
	v59 =	vld [tilespmem:s28+$0xFFFFFF40]  }
0x7b: {  	v51 =	vadd.s32 v11, v39;
	v37 =	vbroadcast v44, $0x0;
	v61 =	vld [tilespmem:s28+$0xFFFFFF80];
	v62 =	vmul.f32 $8.000000000e+00, v62;
	[tilespmem:v35+s14+$0x0] =	vst.idx.msk $0xffff, v60  }
0x7c: {  	[tilespmem:v36+s14+$0x0] =	vst.idx.msk $0xffff, v57;
	v49 =	vadd.s32 v4, v41;
	v35 =	vbroadcast v46, $0x0;
	v56 =	vmul.f32 $8.000000000e+00, v52;
	v52 =	vld [tilespmem:s28+$0x0]  }
0x7d: {  	v36 =	vbroadcast v45, $0x0;
	v63 =	vld [tilespmem:s28+$0xFFFFFFC0];
	v45 =	vadd.s32 v13, v37;
	[tilespmem:v33+s14+$0x0] =	vst.idx.msk $0xffff, v62;
	v57 =	vmul.f32 $8.000000000e+00, v53  }
0x7e: {  	v33 =	vbroadcast v43, $0x0;
	v43 =	vadd.s32 v30, v35;
	[tilespmem:v34+s14+$0x0] =	vst.idx.msk $0xffff, v56;
	v58 =	vmul.f32 $8.000000000e+00, v48;
	v53 =	vld [tilespmem:s28+$0x40]  }
0x7f: {  	v34 =	vbroadcast v42, $0x0;
	v48 =	vadd.s32 v25, v36;
	v59 =	vmul.f32 $8.000000000e+00, v59;
	v50 =	vld [tilespmem:s28+$0x80];
	[tilespmem:v47+s14+$0x0] =	vst.idx.msk $0xffff, v57  }
0x80: {  	v60 =	vmov s29;
	v62 =	vadd.s32 v28, v33;
	v61 =	vmul.f32 $8.000000000e+00, v61;
	[tilespmem:v51+s14+$0x0] =	vst.idx.msk $0xffff, v58;
	v47 =	vld [tilespmem:s28+$0xD0]  }
0x81: {  	v42 =	vshrl.u32 v60, $0x3;
	[tilespmem:v49+s14+$0x0] =	vst.idx.msk $0xffff, v59;
	v49 =	vadd.s32 v32, v34;
	v60 =	vmul.f32 $8.000000000e+00, v52;
	v51 =	vld [tilespmem:s28+$0xFFFFFF10]  }
0x82: {  	v63 =	vmul.f32 $8.000000000e+00, v63;
	[tilespmem:v45+s14+$0x0] =	vst.idx.msk $0xffff, v61;
	v45 =	vadd.s32 v19, v40;
	v55 =	vld [tilespmem:s28+$0xFFFFFF50]  }
0x83: {  	v56 =	vadd.s32 v8, v39;
	v57 =	vld [tilespmem:s28+$0xFFFFFF90];
	[tilespmem:v43+s14+$0x0] =	vst.idx.msk $0xffff, v60;
	v61 =	vmul.f32 $8.000000000e+00, v53  }
0x84: {  	[tilespmem:v48+s14+$0x0] =	vst.idx.msk $0xffff, v63;
	v53 =	vadd.s32 v14, v41;
	v43 =	vmul.f32 $8.000000000e+00, v50  }
0x85: {  	v50 =	vadd.s32 v7, v37;
	v58 =	vld [tilespmem:s28+$0xFFFFFFD0];
	[tilespmem:v62+s14+$0x0] =	vst.idx.msk $0xffff, v61;
	v38 =	vmul.f32 $8.000000000e+00, v47  }
0x86: {  	v59 =	vld [tilespmem:s28+$0x10];
	[tilespmem:v49+s14+$0x0] =	vst.idx.msk $0xffff, v43;
	v47 =	vmul.f32 $8.000000000e+00, v51  }
0x87: {  	s30 =	sadd.s32 $0x1, s29;
	v51 =	vadd.s32 v9, v36;
	v60 =	vld [tilespmem:s28+$0x50];
	v49 =	vmul.f32 $8.000000000e+00, v55;
	[tilespmem:v45+s14+$0x0] =	vst.idx.msk $0xffff, v38  }
0x88: {  	v54 =	vmov s30;
	s30 =	sadd.s32 $0x2, s29;
	v55 =	vadd.s32 v5, v35;
	v61 =	vld [tilespmem:s28+$0x90];
	v62 =	vmul.f32 $8.000000000e+00, v57;
	[tilespmem:v56+s14+$0x0] =	vst.idx.msk $0xffff, v47  }
0x89: {  	v52 =	vmov s30;
	s30 =	sadd.s32 $0x3, s29;
	v45 =	vadd.s32 v10, v33;
	[tilespmem:v53+s14+$0x0] =	vst.idx.msk $0xffff, v49;
	v47 =	vld [tilespmem:s28+$0xE0]  }
0x8a: {  	v48 =	vmov s30;
	s30 =	sadd.s32 $0x4, s29;
	v53 =	vadd.s32 v16, v34;
	[tilespmem:v50+s14+$0x0] =	vst.idx.msk $0xffff, v62;
	v56 =	vld [tilespmem:s28+$0xFFFFFF20];
	v63 =	vmul.f32 $8.000000000e+00, v58  }
0x8b: {  	v44 =	vmov s30;
	s30 =	sadd.s32 $0x5, s29;
	v38 =	vshll.u32 v42, v1;
	v42 =	vmul.f32 $8.000000000e+00, v59;
	v59 =	vld [tilespmem:s28+$0xFFFFFFA0]  }
0x8c: {  	v46 =	vmov s30;
	v57 =	vld [tilespmem:s28+$0xFFFFFF60];
	[tilespmem:v51+s14+$0x0] =	vst.idx.msk $0xffff, v63;
	v49 =	vmul.f32 $8.000000000e+00, v60;
	v60 =	vshrl.u32 v44, $0x3  }
0x8d: {  	[tilespmem:v55+s14+$0x0] =	vst.idx.msk $0xffff, v42;
	v44 =	vmul.f32 $8.000000000e+00, v61;
	v61 =	vshrl.u32 v46, $0x3;
	v46 =	vadd.s32 v21, v37;
	v62 =	vld [tilespmem:s28+$0xFFFFFFE0]  }
0x8e: {  	s30 =	sadd.s32 $0x6, s29;
	v50 =	vadd.s32 v6, v40;
	v63 =	vld [tilespmem:s28+$0x20];
	[tilespmem:v45+s14+$0x0] =	vst.idx.msk $0xffff, v49  }
0x8f: {  	v43 =	vmov s30;
	v58 =	vadd.s32 v26, v39;
	[tilespmem:v53+s14+$0x0] =	vst.idx.msk $0xffff, v44;
	v2 =	vld [tilespmem:s28+$0x60]  }
0x90: {  	v51 =	vadd.s32 v18, v41;
	v42 =	vshrl.u32 v43, $0x3;
	v3 =	vld [tilespmem:s28+$0xA0];
	v43 =	vmul.f32 $8.000000000e+00, v59  }
0x91: {  	v54 =	vshrl.u32 v54, $0x3;
	v0 =	vadd.s32 v12, v36;
	v45 =	vmul.f32 $8.000000000e+00, v47;
	v59 =	vld [tilespmem:$0x1FE40]  }
0x92: {  	v55 =	vmul.f32 $8.000000000e+00, v56;
	v49 =	vmul.f32 $8.000000000e+00, v57;
	[tilespmem:v46+s14+$0x0] =	vst.idx.msk $0xffff, v43;
	v46 =	vshll.u32 v60, v1;
	v60 =	vld [tilespmem:$0x1FE10]  }
0x93: {  	p0 =	slt.u32 s29, $0x78;
	v57 =	vadd.s32 v20, v35;
	v47 =	vshll.u32 v54, v1;
	[tilespmem:v50+s14+$0x0] =	vst.idx.msk $0xffff, v45;
	v54 =	vmul.f32 $8.000000000e+00, v62;
	v62 =	vld [tilespmem:$0x1FE80]  }
.Ltmp0:
0x94: {  	v52 =	vshrl.u32 v52, $0x3;
	v48 =	vshrl.u32 v48, $0x3;
	[tilespmem:v58+s14+$0x0] =	vst.idx.msk $0xffff, v55;
	v56 =	vld [tilespmem:s28+$0xF0];
	(pc) =	sbr.rel @p0 .LBB2_3-.Ltmp0, $4  }
0x95: {  	v38 =	vbroadcast v38, $0x0;
	v44 =	vshll.u32 v52, v1;
	v55 =	vadd.s32 v29, v33;
	[tilespmem:v51+s14+$0x0] =	vst.idx.msk $0xffff, v49;
	v50 =	vld [tilespmem:s28+$0xFFFFFF30]  }
0x96: {  	v51 =	vadd.s32 v24, v34;
	v45 =	vshll.u32 v48, v1;
	v52 =	vld [tilespmem:s28+$0xFFFFFF70];
	v58 =	vmul.f32 $8.000000000e+00, v63  }
0x97: {  	v43 =	vshll.u32 v61, v1;
	v49 =	vld [tilespmem:s28+$0xFFFFFFB0];
	v53 =	vadd.s32 v59, v40;
	[tilespmem:v0+s14+$0x0] =	vst.idx.msk $0xffff, v54;
	v40 =	vmul.f32 $8.000000000e+00, v3  }
0x98: {  	s30 =	sadd.s32 $0x7, s29;
	s29 =	sadd.s32 $0x8, s29;
	[tilespmem:v57+s14+$0x0] =	vst.idx.msk $0xffff, v58;
	v54 =	vld [tilespmem:s28+$0xFFFFFFF0];
	v41 =	vadd.s32 v60, v41;
	v48 =	vadd.s32 v62, v39;
	v39 =	vmul.f32 $8.000000000e+00, v2  }
0x99: {  	_ =	sdelay $0x3  }
0x9a: {  	v0 =	vmov s30;
	v2 =	vadd.s32 v22, v37;
	v3 =	vld [tilespmem:s28+$0x30];
	v57 =	vmul.f32 $8.000000000e+00, v56;
	[tilespmem:v55+s14+$0x0] =	vst.idx.msk $0xffff, v39  }
0x9b: {  	v36 =	vadd.s32 v23, v36;
	[tilespmem:v51+s14+$0x0] =	vst.idx.msk $0xffff, v40;
	v0 =	vshrl.u32 v0, $0x3;
	v58 =	vmul.f32 $8.000000000e+00, v50;
	v61 =	vld [tilespmem:s28+$0x70]  }
0x9c: {  	v35 =	vadd.s32 v27, v35;
	v51 =	vld [tilespmem:s28+$0xB0];
	v0 =	vshll.u32 v0, v1;
	v63 =	vmul.f32 $8.000000000e+00, v52;
	[tilespmem:v53+s14+$0x0] =	vst.idx.msk $0xffff, v57;
	s28 =	sadd.s32 $0x200, s28  }
0x9d: {  	v33 =	vadd.s32 v31, v33;
	v37 =	vld [tilespmem:s28+$0xC0];
	v0 =	vbroadcast v0, $0x0;
	[tilespmem:v48+s14+$0x0] =	vst.idx.msk $0xffff, v58;
	v53 =	vmul.f32 $8.000000000e+00, v49  }
0x9e: {  	v42 =	vshll.u32 v42, v1;
	v34 =	vadd.s32 v17, v34;
	v48 =	vld [tilespmem:s28+$0xFFFFFF00];
	[tilespmem:v41+s14+$0x0] =	vst.idx.msk $0xffff, v63;
	v55 =	vmul.f32 $8.000000000e+00, v54  }
0x9f: {  	v47 =	vbroadcast v47, $0x0;
	v41 =	vld [tilespmem:s28+$0xFFFFFF40];
	v49 =	vadd.s32 v15, v0;
	[tilespmem:v2+s14+$0x0] =	vst.idx.msk $0xffff, v53;
	v2 =	vmul.f32 $8.000000000e+00, v3  }
0xa0: {  	v44 =	vbroadcast v44, $0x0;
	v39 =	vld [tilespmem:s28+$0xFFFFFF80];
	v3 =	vadd.s32 v11, v38;
	[tilespmem:v36+s14+$0x0] =	vst.idx.msk $0xffff, v55;
	v56 =	vmul.f32 $8.000000000e+00, v61  }
0xa1: {  	v45 =	vbroadcast v45, $0x0;
	v57 =	vadd.s32 v4, v47;
	v58 =	vld [tilespmem:s28+$0xFFFFFFC0];
	[tilespmem:v35+s14+$0x0] =	vst.idx.msk $0xffff, v2;
	v2 =	vmul.f32 $8.000000000e+00, v51  }
0xa2: {  	v46 =	vbroadcast v46, $0x0;
	v63 =	vld [tilespmem:s28+$0x0];
	v61 =	vadd.s32 v13, v44;
	v37 =	vmul.f32 $8.000000000e+00, v37;
	[tilespmem:v33+s14+$0x0] =	vst.idx.msk $0xffff, v56  }
0xa3: {  	v43 =	vbroadcast v43, $0x0;
	v36 =	vadd.s32 v25, v45;
	v55 =	vld [tilespmem:s28+$0x40];
	v54 =	vmul.f32 $8.000000000e+00, v48;
	[tilespmem:v34+s14+$0x0] =	vst.idx.msk $0xffff, v2  }
0xa4: {  	v42 =	vbroadcast v42, $0x0;
	v2 =	vmul.f32 $8.000000000e+00, v41;
	v34 =	vadd.s32 v30, v46;
	v41 =	vld [tilespmem:s28+$0x80];
	[tilespmem:v49+s14+$0x0] =	vst.idx.msk $0xffff, v37  }
0xa5: {  	v33 =	vadd.s32 v28, v43;
	[tilespmem:v3+s14+$0x0] =	vst.idx.msk $0xffff, v54;
	v3 =	vmul.f32 $8.000000000e+00, v39;
	v37 =	vld [tilespmem:s28+$0xD0]  }
0xa6: {  	v56 =	vld [tilespmem:s28+$0xFFFFFF10];
	[tilespmem:v57+s14+$0x0] =	vst.idx.msk $0xffff, v2;
	v2 =	vmul.f32 $8.000000000e+00, v58;
	v57 =	vadd.s32 v32, v42  }
0xa7: {  	v58 =	vld [tilespmem:s28+$0xFFFFFF50];
	[tilespmem:v61+s14+$0x0] =	vst.idx.msk $0xffff, v3;
	v3 =	vmul.f32 $8.000000000e+00, v63;
	v61 =	vadd.s32 v19, v0  }
0xa8: {  	v63 =	vadd.s32 v8, v38;
	v54 =	vld [tilespmem:s28+$0xFFFFFF90];
	[tilespmem:v36+s14+$0x0] =	vst.idx.msk $0xffff, v2;
	v2 =	vmul.f32 $8.000000000e+00, v55  }
0xa9: {  	v36 =	vadd.s32 v14, v47;
	v55 =	vld [tilespmem:s28+$0xFFFFFFD0];
	[tilespmem:v34+s14+$0x0] =	vst.idx.msk $0xffff, v3;
	v3 =	vmul.f32 $8.000000000e+00, v41  }
0xaa: {  	v34 =	vadd.s32 v7, v44;
	v52 =	vld [tilespmem:s28+$0x10];
	[tilespmem:v33+s14+$0x0] =	vst.idx.msk $0xffff, v2;
	v2 =	vmul.f32 $8.000000000e+00, v37  }
0xab: {  	v53 =	vmul.f32 $8.000000000e+00, v56;
	v37 =	vadd.s32 v9, v45;
	v39 =	vld [tilespmem:s28+$0x50];
	[tilespmem:v57+s14+$0x0] =	vst.idx.msk $0xffff, v3  }
0xac: {  	v40 =	vadd.s32 v5, v46;
	v3 =	vmul.f32 $8.000000000e+00, v58;
	v49 =	vld [tilespmem:s28+$0x90];
	[tilespmem:v61+s14+$0x0] =	vst.idx.msk $0xffff, v2  }
0xad: {  	[tilespmem:v63+s14+$0x0] =	vst.idx.msk $0xffff, v53;
	v2 =	vmul.f32 $8.000000000e+00, v54;
	v54 =	vadd.s32 v10, v43;
	v35 =	vld [tilespmem:s28+$0xE0]  }
0xae: {  	v50 =	vld [tilespmem:s28+$0xFFFFFF20];
	[tilespmem:v36+s14+$0x0] =	vst.idx.msk $0xffff, v3;
	v3 =	vmul.f32 $8.000000000e+00, v55;
	v55 =	vadd.s32 v16, v42  }
0xaf: {  	v56 =	vld [tilespmem:s28+$0xFFFFFF60];
	[tilespmem:v34+s14+$0x0] =	vst.idx.msk $0xffff, v2;
	v2 =	vmul.f32 $8.000000000e+00, v52;
	v34 =	vadd.s32 v6, v0  }
0xb0: {  	v41 =	vadd.s32 v26, v38;
	v57 =	vld [tilespmem:s28+$0xFFFFFFA0];
	[tilespmem:v37+s14+$0x0] =	vst.idx.msk $0xffff, v3;
	v3 =	vmul.f32 $8.000000000e+00, v39  }
0xb1: {  	v37 =	vadd.s32 v18, v47;
	v39 =	vld [tilespmem:s28+$0xFFFFFFE0];
	[tilespmem:v40+s14+$0x0] =	vst.idx.msk $0xffff, v2;
	v2 =	vmul.f32 $8.000000000e+00, v49  }
0xb2: {  	v40 =	vadd.s32 v21, v44;
	v49 =	vld [tilespmem:s28+$0x20];
	[tilespmem:v54+s14+$0x0] =	vst.idx.msk $0xffff, v3;
	v3 =	vmul.f32 $8.000000000e+00, v35  }
0xb3: {  	v53 =	vadd.s32 v12, v45;
	v52 =	vmul.f32 $8.000000000e+00, v50;
	v54 =	vld [tilespmem:s28+$0x60];
	[tilespmem:v55+s14+$0x0] =	vst.idx.msk $0xffff, v2  }
0xb4: {  	v55 =	vadd.s32 v20, v46;
	v2 =	vmul.f32 $8.000000000e+00, v56;
	v56 =	vld [tilespmem:s28+$0xA0];
	[tilespmem:v34+s14+$0x0] =	vst.idx.msk $0xffff, v3  }
0xb5: {  	[tilespmem:v41+s14+$0x0] =	vst.idx.msk $0xffff, v52;
	v3 =	vmul.f32 $8.000000000e+00, v57;
	v57 =	vadd.s32 v29, v43;
	v34 =	vld [tilespmem:s28+$0xF0]  }
0xb6: {  	v41 =	vld [tilespmem:s28+$0xFFFFFF30];
	[tilespmem:v37+s14+$0x0] =	vst.idx.msk $0xffff, v2;
	v2 =	vmul.f32 $8.000000000e+00, v39;
	v37 =	vadd.s32 v24, v42  }
0xb7: {  	v0 =	vadd.s32 v59, v0;
	v39 =	vld [tilespmem:s28+$0xFFFFFF70];
	[tilespmem:v40+s14+$0x0] =	vst.idx.msk $0xffff, v3;
	v3 =	vmul.f32 $8.000000000e+00, v49  }
0xb8: {  	v49 =	vadd.s32 v62, v38;
	v40 =	vld [tilespmem:s28+$0xFFFFFFB0];
	[tilespmem:v53+s14+$0x0] =	vst.idx.msk $0xffff, v2;
	v2 =	vmul.f32 $8.000000000e+00, v54  }
0xb9: {  	v51 =	vadd.s32 v60, v47;
	v52 =	vld [tilespmem:s28+$0xFFFFFFF0];
	[tilespmem:v55+s14+$0x0] =	vst.idx.msk $0xffff, v3;
	v3 =	vmul.f32 $8.000000000e+00, v56  }
0xba: {  	v53 =	vadd.s32 v22, v44;
	v54 =	vld [tilespmem:s28+$0x30];
	[tilespmem:v57+s14+$0x0] =	vst.idx.msk $0xffff, v2;
	v2 =	vmul.f32 $8.000000000e+00, v34  }
0xbb: {  	v56 =	vadd.s32 v23, v45;
	v55 =	vmul.f32 $8.000000000e+00, v41;
	v57 =	vld [tilespmem:s28+$0x70];
	[tilespmem:v37+s14+$0x0] =	vst.idx.msk $0xffff, v3  }
0xbc: {  	v59 =	vadd.s32 v27, v46;
	v3 =	vmul.f32 $8.000000000e+00, v39;
	v60 =	vld [tilespmem:s28+$0xB0];
	[tilespmem:v0+s14+$0x0] =	vst.idx.msk $0xffff, v2  }
0xbd: {  	[tilespmem:v49+s14+$0x0] =	vst.idx.msk $0xffff, v55;
	v0 =	vmul.f32 $8.000000000e+00, v40;
	v2 =	vadd.s32 v31, v43  }
0xbe: {  	v62 =	vadd.s32 v17, v42;
	[tilespmem:v51+s14+$0x0] =	vst.idx.msk $0xffff, v3;
	v3 =	vmul.f32 $8.000000000e+00, v52  }
0xbf: {  	[tilespmem:v53+s14+$0x0] =	vst.idx.msk $0xffff, v0;
	v0 =	vmul.f32 $8.000000000e+00, v54  }
0xc0: {  	s28 =	sshll.u32 s26, $0x14;
	[tilespmem:v56+s14+$0x0] =	vst.idx.msk $0xffff, v3;
	v3 =	vmul.f32 $8.000000000e+00, v57  }
0xc1: {  	s28 =	sor.u32 s3, s28;
	[tilespmem:v59+s14+$0x0] =	vst.idx.msk $0xffff, v0;
	v0 =	vmul.f32 $8.000000000e+00, v60  }
0xc2: {  	s28 =	sshrl.u32 s28, $0x3;
	[tilespmem:v2+s14+$0x0] =	vst.idx.msk $0xffff, v3  }
0xc3: {  	s30 =	simm.s32 $0xE400;
	s29 =	sadd.s32 s5, s28;
	[tilespmem:v62+s14+$0x0] =	vst.idx.msk $0xffff, v0  }
0xc4: {  	v58 =	vmovc v5;
	v63 =	vmovc v10;
	v61 =	vmov v16;
	v10 =	vmov v26;
	v18 =	vmov v12;
	[hbm4b:s29+s1] =	stream.linear.scatter [tilespmem:s30], [sflag:$0x5], $0x80, $0x38;
	[tilespmem:$0x16C00] =	vst v63  }
0xc5: {  	v21 =	vmovc v19;
	v29 =	vmovc v24;
	v40 =	vmov v6;
	v6 =	vmov v8;
	v8 =	vmov v20;
	s30 =	simm.s32 $0x220  }
.LBB2_5:
0xc6: {  	p0 =	sne.s32 s30, $0x85E0  }
.Ltmp1:
0xc7: {  	_ = 	snop;
	(pc) =	sbr.rel @p0 .LBB2_5-.Ltmp1, $4  }
0xc8: {  	_ = 	snop  }
0xc9: {  	s31 =	sshra.s32 s30, $0x2;
	s30 =	sadd.s32 $0x220, s30  }
0xca: {  	s29 =	sadd.s32 $0x800, s29;
	s31 =	sadd.s32 $0xE400, s31  }
0xcb: {  	[hbm4b:s29+s1] =	stream.linear.scatter [tilespmem:s31], [sflag:$0x5], $0x80, $0x38;
	[tilespmem:$0x16C00] =	vst v63  }
0xcc: {  	s29 =	simm.s32 $0x0;
	s30 =	simm.s32 $0x2  }
0xcd: {  	s31 =	simm.s32 $0x3;
	v0 =	vmov s29;
	s29 =	simm.s32 $0x1;
	v3 =	vmov s30  }
0xce: {  	v33 =	vmov s31;
	s30 =	simm.s32 $0x5;
	s31 =	simm.s32 $0x6;
	v0 =	vshrl.u32 v0, $0x3;
	v2 =	vmov s29  }
0xcf: {  	s29 =	simm.s32 $0x4;
	v35 =	vmov s30;
	v36 =	vmov s31;
	v3 =	vshrl.u32 v3, $0x3  }
0xd0: {  	_ =	swait.ge [sflag:s15], $0x2000;
	v33 =	vshrl.u32 v33, $0x3;
	v34 =	vmov s29;
	s29 =	simm.s32 $0x7;
	v0 =	vshll.u32 v0, v1  }
0xd1: {  	[sflag:s15] =	ssyncset.done $0x0;
	v2 =	vshrl.u32 v2, $0x3;
	v35 =	vshrl.u32 v35, $0x3;
	v37 =	vmov s29  }
0xd2: {  	[sflag:s15] =	ssyncadd.s32 $0xFFFFE000;
	v36 =	vshrl.u32 v36, $0x3;
	v3 =	vshll.u32 v3, v1;
	s29 =	simm.s32 $0x8500;
	v37 =	vshrl.u32 v37, $0x3  }
0xd3: {  	v33 =	vshll.u32 v33, v1;
	v39 =	vbroadcast v0, $0x0;
	v38 =	vld [tilespmem:s29+$0xFFFFFF00];
	v37 =	vshll.u32 v37, v1  }
0xd4: {  	v34 =	vshrl.u32 v34, $0x3;
	v2 =	vshll.u32 v2, v1;
	v0 =	vld [tilespmem:s29+$0xC0];
	v41 =	vbroadcast v37, $0x0  }
0xd5: {  	v43 =	vshll.u32 v35, v1;
	v42 =	vld [tilespmem:s29+$0xFFFFFF40];
	v24 =	vbroadcast v2, $0x0;
	v44 =	vadd.s32 v11, v39  }
0xd6: {  	v34 =	vshll.u32 v34, v1;
	v45 =	vld [tilespmem:s29+$0xFFFFFF80];
	v37 =	vbroadcast v3, $0x0;
	v2 =	vadd.s32 v15, v41  }
0xd7: {  	v47 =	vld [tilespmem:s29+$0xFFFFFFC0];
	v3 =	vshll.u32 v36, v1;
	v46 =	vadd.s32 v4, v24;
	v36 =	vbroadcast v33, $0x0  }
0xd8: {  	v49 =	vld [tilespmem:s29+$0x0];
	v35 =	vbroadcast v34, $0x0;
	v48 =	vadd.s32 v13, v37;
	v38 =	vmul.f32 $8.000000000e+00, v38  }
0xd9: {  	v51 =	vld [tilespmem:s29+$0x40];
	v33 =	vbroadcast v43, $0x0;
	v50 =	vadd.s32 v25, v36;
	v0 =	vmul.f32 $8.000000000e+00, v0  }
0xda: {  	v52 =	vld [tilespmem:s29+$0x80];
	v57 =	vadd.s32 v30, v35;
	v34 =	vbroadcast v3, $0x0;
	v42 =	vmul.f32 $8.000000000e+00, v42;
	[tilespmem:v44+s16+$0x0] =	vst.idx.msk $0xffff, v38  }
0xdb: {  	v3 =	vadd.s32 v28, v33;
	v44 =	vld [tilespmem:s29+$0xFFFFFF10];
	[tilespmem:v2+s16+$0x0] =	vst.idx.msk $0xffff, v0;
	v2 =	vmul.f32 $8.000000000e+00, v45  }
0xdc: {  	v59 =	vmul.f32 $8.000000000e+00, v47;
	[tilespmem:v46+s16+$0x0] =	vst.idx.msk $0xffff, v42;
	v45 =	vadd.s32 v32, v34;
	v38 =	vld [tilespmem:s29+$0xD0]  }
0xdd: {  	v53 =	vadd.s32 v6, v39;
	v60 =	vld [tilespmem:s29+$0xFFFFFF50];
	[tilespmem:v48+s16+$0x0] =	vst.idx.msk $0xffff, v2;
	v2 =	vmul.f32 $8.000000000e+00, v49  }
0xde: {  	v62 =	vmul.f32 $8.000000000e+00, v51;
	[tilespmem:v50+s16+$0x0] =	vst.idx.msk $0xffff, v59;
	v48 =	vadd.s32 v21, v41;
	v54 =	vld [tilespmem:s29+$0xFFFFFF90]  }
0xdf: {  	v51 =	vadd.s32 v14, v24;
	v55 =	vld [tilespmem:s29+$0xFFFFFFD0];
	[tilespmem:v57+s16+$0x0] =	vst.idx.msk $0xffff, v2;
	v2 =	vmul.f32 $8.000000000e+00, v52  }
0xe0: {  	[tilespmem:v3+s16+$0x0] =	vst.idx.msk $0xffff, v62;
	v52 =	vadd.s32 v7, v37;
	v42 =	vmul.f32 $8.000000000e+00, v44;
	v56 =	vld [tilespmem:s29+$0x10]  }
0xe1: {  	v44 =	vadd.s32 v9, v36;
	v3 =	vmul.f32 $8.000000000e+00, v38;
	[tilespmem:v45+s16+$0x0] =	vst.idx.msk $0xffff, v2  }
0xe2: {  	v22 =	vmovc v30;
	v30 =	vmov v32;
	v32 =	vmul.f32 $8.000000000e+00, v60;
	v60 =	vadd.s32 v58, v35;
	[tilespmem:v53+s16+$0x0] =	vst.idx.msk $0xffff, v42  }
0xe3: {  	[tilespmem:v48+s16+$0x0] =	vst.idx.msk $0xffff, v3;
	v3 =	vmul.f32 $8.000000000e+00, v54  }
0xe4: {  	v27 =	vmov v63;
	v57 =	vld [tilespmem:s29+$0x50];
	v42 =	vadd.s32 v63, v33;
	[tilespmem:v51+s16+$0x0] =	vst.idx.msk $0xffff, v32;
	v63 =	vmul.f32 $8.000000000e+00, v55  }
0xe5: {  	s30 =	simm.s32 $0x8;
	v62 =	vld [tilespmem:s29+$0x90];
	[tilespmem:v52+s16+$0x0] =	vst.idx.msk $0xffff, v3;
	v3 =	vmul.f32 $8.000000000e+00, v56  }
0xe6: {  	v0 =	vmov s30;
	s30 =	simm.s32 $0x9;
	v53 =	vld [tilespmem:s29+$0xFFFFFF20];
	[tilespmem:v44+s16+$0x0] =	vst.idx.msk $0xffff, v63  }
0xe7: {  	v46 =	vmov s30;
	s30 =	simm.s32 $0xA;
	v12 =	vld [tilespmem:$0x1FEB0];
	[tilespmem:v60+s16+$0x0] =	vst.idx.msk $0xffff, v3  }
0xe8: {  	v49 =	vmov s30;
	s30 =	simm.s32 $0xB;
	v16 =	vld [tilespmem:$0x1FEE0]  }
0xe9: {  	v0 =	vshrl.u32 v0, $0x3;
	v50 =	vmov s30;
	s30 =	simm.s32 $0xC;
	v51 =	vadd.s32 v61, v34;
	v48 =	vld [tilespmem:s29+$0xE0]  }
0xea: {  	v43 =	vmov s30;
	s30 =	simm.s32 $0xD;
	v59 =	vshrl.u32 v50, $0x3;
	v50 =	vadd.s32 v10, v39;
	v54 =	vld [tilespmem:s29+$0xFFFFFF60]  }
0xeb: {  	v38 =	vmov s30;
	s30 =	simm.s32 $0xE;
	v32 =	vmul.f32 $8.000000000e+00, v57;
	v52 =	vadd.s32 v40, v41;
	v55 =	vld [tilespmem:s29+$0xFFFFFFA0]  }
0xec: {  	v2 =	vmov s30;
	v3 =	vmul.f32 $8.000000000e+00, v62;
	v45 =	vadd.s32 v12, v24  }
0xed: {  	[tilespmem:v42+s16+$0x0] =	vst.idx.msk $0xffff, v32;
	v42 =	vshrl.u32 v2, $0x3;
	v2 =	vmul.f32 $8.000000000e+00, v53;
	v60 =	vadd.s32 v16, v37  }
0xee: {  	v0 =	vshll.u32 v0, v1;
	v57 =	vld [tilespmem:s29+$0xFFFFFFE0];
	v56 =	vmul.f32 $8.000000000e+00, v48;
	[tilespmem:v51+s16+$0x0] =	vst.idx.msk $0xffff, v3  }
0xef: {  	v23 =	vmovc v58;
	v31 =	vmovc v61;
	v58 =	vshrl.u32 v38, $0x3;
	v38 =	vbroadcast v0, $0x0;
	v61 =	vld [tilespmem:s29+$0x20];
	v0 =	vmul.f32 $8.000000000e+00, v54;
	[tilespmem:v50+s16+$0x0] =	vst.idx.msk $0xffff, v2  }
0xf0: {  	v63 =	vld [tilespmem:s29+$0x60];
	[tilespmem:v52+s16+$0x0] =	vst.idx.msk $0xffff, v56;
	v2 =	vmul.f32 $8.000000000e+00, v55  }
0xf1: {  	v26 =	vmov v28;
	v28 =	vld [tilespmem:$0x1FF80];
	[tilespmem:v45+s16+$0x0] =	vst.idx.msk $0xffff, v0  }
0xf2: {  	v32 =	vld [tilespmem:s29+$0xA0];
	[tilespmem:v60+s16+$0x0] =	vst.idx.msk $0xffff, v2  }
0xf3: {  	v62 =	vadd.s32 v18, v36;
	v5 =	vld [tilespmem:$0x1FE40]  }
0xf4: {  	v50 =	vld [tilespmem:s29+$0xFFFFFF30]  }
0xf5: {  	v3 =	vadd.s32 v8, v35;
	v56 =	vld [tilespmem:s29+$0xF0]  }
0xf6: {  	v49 =	vshrl.u32 v49, $0x3;
	v0 =	vmul.f32 $8.000000000e+00, v57;
	v52 =	vld [tilespmem:s29+$0xFFFFFF70]  }
0xf7: {  	v44 =	vshll.u32 v49, v1;
	v49 =	vld [tilespmem:s29+$0xFFFFFFB0]  }
0xf8: {  	v2 =	vmul.f32 $8.000000000e+00, v61;
	v53 =	vadd.s32 v5, v41;
	v5 =	vld [tilespmem:$0x1FE80];
	[tilespmem:v62+s16+$0x0] =	vst.idx.msk $0xffff, v0  }
0xf9: {  	v0 =	vld [tilespmem:$0x1FE10]  }
0xfa: {  	v54 =	vld [tilespmem:s29+$0xFFFFFFF0];
	[tilespmem:v3+s16+$0x0] =	vst.idx.msk $0xffff, v2  }
0xfb: {  	v17 =	vmov v10;
	v10 =	vld [tilespmem:$0x1FE90]  }
0xfc: {  	v40 =	vmul.f32 $8.000000000e+00, v32;
	v32 =	vmovc v15;
	v15 =	vmov v7;
	v7 =	vmov v6;
	v6 =	vld [tilespmem:$0x1FE50]  }
0xfd: {  	v51 =	vadd.s32 v29, v34;
	v29 =	vld [tilespmem:$0x1FEF0]  }
0xfe: {  	v19 =	vmov v9;
	v20 =	vmov v18;
	v46 =	vshrl.u32 v46, $0x3;
	v9 =	vld [tilespmem:$0x1FF20]  }
0xff: {  	v11 =	vmovc v14;
	v47 =	vshll.u32 v46, v1;
	v43 =	vshrl.u32 v43, $0x3;
	v18 =	vmovc v25;
	v55 =	vadd.s32 v28, v33;
	v25 =	vld [tilespmem:$0x1FF50]  }
0x100: {  	v14 =	vmovc v13;
	v46 =	vshll.u32 v43, v1;
	v43 =	vshll.u32 v58, v1;
	v45 =	vshll.u32 v59, v1;
	v13 =	vld [tilespmem:$0x1FFD0]  }
0x101: {  	s31 =	simm.s32 $0xF;
	s30 =	simm.s32 $0x10;
	v48 =	vadd.s32 v5, v39;
	v39 =	vmul.f32 $8.000000000e+00, v63;
	v41 =	vadd.s32 v0, v24;
	v24 =	vmovc v8;
	v8 =	vmovc v17;
	v17 =	vld [tilespmem:$0x1FF90]  }
.LBB2_7:
0x102: {  	_ = 	snop  }
0x103: {  	v0 =	vmov s31  }
0x104: {  	v2 =	vadd.s32 v29, v37;
	v3 =	vld [tilespmem:s29+$0x30];
	v36 =	vadd.s32 v9, v36;
	[tilespmem:v55+s16+$0x0] =	vst.idx.msk $0xffff, v39;
	v63 =	vmul.f32 $8.000000000e+00, v56  }
0x105: {  	v35 =	vadd.s32 v25, v35;
	v0 =	vshrl.u32 v0, $0x3;
	[tilespmem:v51+s16+$0x0] =	vst.idx.msk $0xffff, v40;
	v57 =	vld [tilespmem:s29+$0x70];
	v56 =	vmul.f32 $8.000000000e+00, v50  }
0x106: {  	v33 =	vadd.s32 v17, v33;
	v0 =	vshll.u32 v0, v1;
	v59 =	vld [tilespmem:s29+$0xB0];
	s29 =	sadd.s32 $0x200, s29;
	v58 =	vmul.f32 $8.000000000e+00, v52;
	[tilespmem:v53+s16+$0x0] =	vst.idx.msk $0xffff, v63  }
0x107: {  	v42 =	vshll.u32 v42, v1;
	v40 =	vbroadcast v0, $0x0;
	v0 =	vmul.f32 $8.000000000e+00, v49;
	[tilespmem:v48+s16+$0x0] =	vst.idx.msk $0xffff, v56;
	v53 =	vld [tilespmem:s29+$0xC0]  }
0x108: {  	v34 =	vadd.s32 v13, v34;
	v39 =	vmov v38;
	v61 =	vmul.f32 $8.000000000e+00, v54;
	[tilespmem:v41+s16+$0x0] =	vst.idx.msk $0xffff, v58;
	v38 =	vld [tilespmem:s29+$0xFFFFFF00]  }
0x109: {  	v41 =	vbroadcast v47, $0x0;
	v63 =	vadd.s32 v32, v40;
	[tilespmem:v2+s16+$0x0] =	vst.idx.msk $0xffff, v0;
	v0 =	vmul.f32 $8.000000000e+00, v3;
	v62 =	vld [tilespmem:s29+$0xFFFFFF40]  }
0x10a: {  	v37 =	vbroadcast v44, $0x0;
	v2 =	vadd.s32 v6, v39;
	[tilespmem:v36+s16+$0x0] =	vst.idx.msk $0xffff, v61;
	v3 =	vld [tilespmem:s29+$0xFFFFFF80];
	v60 =	vmul.f32 $8.000000000e+00, v57  }
0x10b: {  	v36 =	vbroadcast v45, $0x0;
	v61 =	vld [tilespmem:s29+$0xFFFFFFC0];
	v48 =	vadd.s32 v10, v41;
	[tilespmem:v35+s16+$0x0] =	vst.idx.msk $0xffff, v0;
	v0 =	vmul.f32 $8.000000000e+00, v59  }
0x10c: {  	v45 =	vadd.s32 v14, v37;
	v35 =	vbroadcast v46, $0x0;
	v51 =	vld [tilespmem:s29+$0x0];
	[tilespmem:v33+s16+$0x0] =	vst.idx.msk $0xffff, v60;
	v56 =	vmul.f32 $8.000000000e+00, v53  }
0x10d: {  	v44 =	vadd.s32 v18, v36;
	v33 =	vbroadcast v43, $0x0;
	v57 =	vld [tilespmem:s29+$0x40];
	[tilespmem:v34+s16+$0x0] =	vst.idx.msk $0xffff, v0;
	v38 =	vmul.f32 $8.000000000e+00, v38  }
0x10e: {  	v58 =	vadd.s32 v22, v35;
	v34 =	vbroadcast v42, $0x0;
	v59 =	vld [tilespmem:s29+$0x80];
	v0 =	vmul.f32 $8.000000000e+00, v62;
	[tilespmem:v63+s16+$0x0] =	vst.idx.msk $0xffff, v56  }
0x10f: {  	[tilespmem:v2+s16+$0x0] =	vst.idx.msk $0xffff, v38;
	v2 =	vmul.f32 $8.000000000e+00, v3;
	v3 =	vadd.s32 v26, v33;
	v63 =	vld [tilespmem:s29+$0xD0]  }
0x110: {  	v47 =	vadd.s32 v30, v34;
	[tilespmem:v48+s16+$0x0] =	vst.idx.msk $0xffff, v0;
	v0 =	vmul.f32 $8.000000000e+00, v61;
	v60 =	vld [tilespmem:s29+$0xFFFFFF10]  }
0x111: {  	v61 =	vld [tilespmem:s29+$0xFFFFFF50];
	[tilespmem:v45+s16+$0x0] =	vst.idx.msk $0xffff, v2;
	v2 =	vmul.f32 $8.000000000e+00, v51;
	v45 =	vadd.s32 v21, v40  }
0x112: {  	v4 =	vld [tilespmem:$0x1FFF0];
	v62 =	vmov s30;
	v53 =	vadd.s32 v7, v39;
	[tilespmem:v44+s16+$0x0] =	vst.idx.msk $0xffff, v0;
	v0 =	vmul.f32 $8.000000000e+00, v57  }
0x113: {  	v52 =	vadd.s32 v11, v41;
	v42 =	vshrl.u32 v62, $0x3;
	v62 =	vld [tilespmem:s29+$0xFFFFFF90];
	[tilespmem:v58+s16+$0x0] =	vst.idx.msk $0xffff, v2;
	v2 =	vmul.f32 $8.000000000e+00, v59  }
0x114: {  	s31 =	sadd.s32 $0x1, s30;
	v55 =	vld [tilespmem:s29+$0xFFFFFFD0];
	[tilespmem:v3+s16+$0x0] =	vst.idx.msk $0xffff, v0;
	v0 =	vmul.f32 $8.000000000e+00, v63  }
0x115: {  	v49 =	vadd.s32 v15, v37;
	v48 =	vmov s31;
	s31 =	sadd.s32 $0x2, s30;
	v56 =	vld [tilespmem:s29+$0x10];
	v63 =	vmul.f32 $8.000000000e+00, v60;
	[tilespmem:v47+s16+$0x0] =	vst.idx.msk $0xffff, v2  }
0x116: {  	v51 =	vmov s31;
	s31 =	sadd.s32 $0x3, s30;
	v60 =	vadd.s32 v19, v36;
	v57 =	vld [tilespmem:s29+$0x50];
	v61 =	vmul.f32 $8.000000000e+00, v61;
	[tilespmem:v45+s16+$0x0] =	vst.idx.msk $0xffff, v0  }
0x117: {  	v50 =	vadd.s32 v23, v35;
	v44 =	vmov s31;
	v58 =	vld [tilespmem:s29+$0x90];
	[tilespmem:v53+s16+$0x0] =	vst.idx.msk $0xffff, v63  }
0x118: {  	s31 =	sadd.s32 $0x4, s30;
	v0 =	vshll.u32 v42, v1;
	v62 =	vmul.f32 $8.000000000e+00, v62;
	v42 =	vadd.s32 v27, v33;
	[tilespmem:v52+s16+$0x0] =	vst.idx.msk $0xffff, v61;
	v53 =	vld [tilespmem:s29+$0xFFFFFF20]  }
0x119: {  	v43 =	vmov s31;
	v63 =	vmul.f32 $8.000000000e+00, v55;
	v52 =	vadd.s32 v31, v34;
	v54 =	vld [tilespmem:s29+$0xFFFFFF60]  }
0x11a: {  	s31 =	sadd.s32 $0x5, s30;
	v59 =	vshrl.u32 v44, $0x3;
	v44 =	vadd.s32 v8, v39;
	v45 =	vld [tilespmem:s29+$0xE0];
	[tilespmem:v49+s16+$0x0] =	vst.idx.msk $0xffff, v62;
	v38 =	vmul.f32 $8.000000000e+00, v56  }
0x11b: {  	v3 =	vmov s31;
	s31 =	sadd.s32 $0x6, s30;
	v55 =	vld [tilespmem:s29+$0xFFFFFFA0];
	[tilespmem:v60+s16+$0x0] =	vst.idx.msk $0xffff, v63;
	v46 =	vmul.f32 $8.000000000e+00, v57;
	v57 =	vadd.s32 v12, v41  }
0x11c: {  	v2 =	vmov s31;
	v49 =	vadd.s32 v4, v40;
	v60 =	vld [tilespmem:s29+$0xFFFFFFE0];
	[tilespmem:v50+s16+$0x0] =	vst.idx.msk $0xffff, v38;
	v50 =	vmul.f32 $8.000000000e+00, v58  }
0x11d: {  	v58 =	vadd.s32 v16, v37;
	v61 =	vld [tilespmem:s29+$0x20];
	[tilespmem:v42+s16+$0x0] =	vst.idx.msk $0xffff, v46;
	v42 =	vshrl.u32 v2, $0x3;
	v2 =	vmul.f32 $8.000000000e+00, v53  }
0x11e: {  	v62 =	vadd.s32 v20, v36;
	v38 =	vbroadcast v0, $0x0;
	v63 =	vld [tilespmem:s29+$0x60];
	[tilespmem:v52+s16+$0x0] =	vst.idx.msk $0xffff, v50;
	v0 =	vmul.f32 $8.000000000e+00, v54  }
0x11f: {  	v45 =	vmul.f32 $8.000000000e+00, v45;
	v5 =	vld [tilespmem:s29+$0xA0];
	[tilespmem:v44+s16+$0x0] =	vst.idx.msk $0xffff, v2  }
0x120: {  	v2 =	vmul.f32 $8.000000000e+00, v55;
	[tilespmem:v57+s16+$0x0] =	vst.idx.msk $0xffff, v0;
	v57 =	vld [tilespmem:$0x1FE40]  }
0x121: {  	[tilespmem:v49+s16+$0x0] =	vst.idx.msk $0xffff, v45;
	v0 =	vmul.f32 $8.000000000e+00, v60;
	v60 =	vld [tilespmem:$0x1FFC0]  }
0x122: {  	[tilespmem:v58+s16+$0x0] =	vst.idx.msk $0xffff, v2;
	v2 =	vmul.f32 $8.000000000e+00, v61;
	v61 =	vld [tilespmem:$0x1FE80]  }
0x123: {  	p0 =	slt.u32 s30, $0x78;
	v48 =	vshrl.u32 v48, $0x3;
	v4 =	vadd.s32 v24, v35;
	[tilespmem:v62+s16+$0x0] =	vst.idx.msk $0xffff, v0;
	v0 =	vld [tilespmem:$0x1FE10]  }
.Ltmp2:
0x124: {  	v51 =	vshrl.u32 v51, $0x3;
	v43 =	vshrl.u32 v43, $0x3;
	v3 =	vshrl.u32 v3, $0x3;
	v56 =	vld [tilespmem:s29+$0xF0];
	(pc) =	sbr.rel @p0 .LBB2_7-.Ltmp2, $4  }
0x125: {  	v47 =	vshll.u32 v48, v1;
	v46 =	vshll.u32 v43, v1;
	v43 =	vshll.u32 v3, v1;
	v50 =	vld [tilespmem:s29+$0xFFFFFF30]  }
0x126: {  	v55 =	vadd.s32 v28, v33;
	v44 =	vshll.u32 v51, v1;
	v45 =	vshll.u32 v59, v1;
	v52 =	vld [tilespmem:s29+$0xFFFFFF70]  }
0x127: {  	v49 =	vld [tilespmem:s29+$0xFFFFFFB0];
	v53 =	vadd.s32 v57, v40;
	v40 =	vmul.f32 $8.000000000e+00, v5;
	v51 =	vadd.s32 v60, v34  }
0x128: {  	s31 =	sadd.s32 $0x7, s30;
	s30 =	sadd.s32 $0x8, s30;
	v54 =	vld [tilespmem:s29+$0xFFFFFFF0];
	[tilespmem:v4+s16+$0x0] =	vst.idx.msk $0xffff, v2;
	v48 =	vadd.s32 v61, v39;
	v39 =	vmul.f32 $8.000000000e+00, v63;
	v41 =	vadd.s32 v0, v41  }
0x129: {  	_ =	sdelay $0x3  }
0x12a: {  	v0 =	vmov s31;
	v2 =	vadd.s32 v29, v37;
	v3 =	vld [tilespmem:s29+$0x30];
	v4 =	vmul.f32 $8.000000000e+00, v56;
	[tilespmem:v55+s16+$0x0] =	vst.idx.msk $0xffff, v39  }
0x12b: {  	v36 =	vadd.s32 v9, v36;
	[tilespmem:v51+s16+$0x0] =	vst.idx.msk $0xffff, v40;
	v0 =	vshrl.u32 v0, $0x3;
	v5 =	vmul.f32 $8.000000000e+00, v50;
	v63 =	vld [tilespmem:s29+$0x70]  }
0x12c: {  	v35 =	vadd.s32 v25, v35;
	v40 =	vld [tilespmem:s29+$0xB0];
	v0 =	vshll.u32 v0, v1;
	v52 =	vmul.f32 $8.000000000e+00, v52;
	[tilespmem:v53+s16+$0x0] =	vst.idx.msk $0xffff, v4;
	s29 =	sadd.s32 $0x200, s29  }
0x12d: {  	v33 =	vadd.s32 v17, v33;
	v4 =	vld [tilespmem:s29+$0xC0];
	v0 =	vbroadcast v0, $0x0;
	[tilespmem:v48+s16+$0x0] =	vst.idx.msk $0xffff, v5;
	v53 =	vmul.f32 $8.000000000e+00, v49  }
0x12e: {  	v42 =	vshll.u32 v42, v1;
	v34 =	vadd.s32 v13, v34;
	v55 =	vld [tilespmem:s29+$0xFFFFFF00];
	[tilespmem:v41+s16+$0x0] =	vst.idx.msk $0xffff, v52;
	v56 =	vmul.f32 $8.000000000e+00, v54  }
0x12f: {  	v47 =	vbroadcast v47, $0x0;
	v58 =	vld [tilespmem:s29+$0xFFFFFF40];
	v59 =	vadd.s32 v32, v0;
	[tilespmem:v2+s16+$0x0] =	vst.idx.msk $0xffff, v53;
	v2 =	vmul.f32 $8.000000000e+00, v3  }
0x130: {  	v44 =	vbroadcast v44, $0x0;
	v60 =	vld [tilespmem:s29+$0xFFFFFF80];
	v3 =	vadd.s32 v6, v38;
	[tilespmem:v36+s16+$0x0] =	vst.idx.msk $0xffff, v56;
	v61 =	vmul.f32 $8.000000000e+00, v63  }
0x131: {  	v45 =	vbroadcast v45, $0x0;
	v62 =	vadd.s32 v10, v47;
	v63 =	vld [tilespmem:s29+$0xFFFFFFC0];
	[tilespmem:v35+s16+$0x0] =	vst.idx.msk $0xffff, v2;
	v2 =	vmul.f32 $8.000000000e+00, v40  }
0x132: {  	v46 =	vbroadcast v46, $0x0;
	v50 =	vmovc v25;
	v25 =	vadd.s32 v14, v44;
	v52 =	vld [tilespmem:s29+$0x0];
	v4 =	vmul.f32 $8.000000000e+00, v4;
	[tilespmem:v33+s16+$0x0] =	vst.idx.msk $0xffff, v61  }
0x133: {  	v43 =	vbroadcast v43, $0x0;
	v54 =	vadd.s32 v18, v45;
	v53 =	vmul.f32 $8.000000000e+00, v55;
	v55 =	vld [tilespmem:s29+$0x40];
	[tilespmem:v34+s16+$0x0] =	vst.idx.msk $0xffff, v2  }
0x134: {  	v42 =	vbroadcast v42, $0x0;
	v56 =	vadd.s32 v22, v46;
	v2 =	vmul.f32 $8.000000000e+00, v58;
	v58 =	vld [tilespmem:s29+$0x80];
	[tilespmem:v59+s16+$0x0] =	vst.idx.msk $0xffff, v4  }
0x135: {  	[tilespmem:v3+s16+$0x0] =	vst.idx.msk $0xffff, v53;
	v3 =	vmul.f32 $8.000000000e+00, v60;
	v59 =	vadd.s32 v26, v43;
	v60 =	vld [tilespmem:s29+$0xD0]  }
0x136: {  	v61 =	vadd.s32 v30, v42;
	v33 =	vld [tilespmem:s29+$0xFFFFFF10];
	[tilespmem:v62+s16+$0x0] =	vst.idx.msk $0xffff, v2;
	v2 =	vmul.f32 $8.000000000e+00, v63  }
0x137: {  	v62 =	vld [tilespmem:s29+$0xFFFFFF50];
	[tilespmem:v25+s16+$0x0] =	vst.idx.msk $0xffff, v3;
	v3 =	vmul.f32 $8.000000000e+00, v52;
	v63 =	vadd.s32 v21, v0  }
0x138: {  	v14 =	vadd.s32 v7, v38;
	v18 =	vld [tilespmem:s29+$0xFFFFFF90];
	[tilespmem:v54+s16+$0x0] =	vst.idx.msk $0xffff, v2;
	v2 =	vmul.f32 $8.000000000e+00, v55  }
0x139: {  	v22 =	vadd.s32 v11, v47;
	[tilespmem:v56+s16+$0x0] =	vst.idx.msk $0xffff, v3;
	v3 =	vmul.f32 $8.000000000e+00, v58  }
0x13a: {  	v26 =	vadd.s32 v15, v44;
	[tilespmem:v59+s16+$0x0] =	vst.idx.msk $0xffff, v2;
	v2 =	vmul.f32 $8.000000000e+00, v60  }
0x13b: {  	v25 =	vld [tilespmem:s29+$0xFFFFFFD0];
	v52 =	vmul.f32 $8.000000000e+00, v33;
	[tilespmem:v61+s16+$0x0] =	vst.idx.msk $0xffff, v3  }
0x13c: {  	v3 =	vmul.f32 $8.000000000e+00, v62;
	[tilespmem:v63+s16+$0x0] =	vst.idx.msk $0xffff, v2  }
0x13d: {  	v30 =	vld [tilespmem:s29+$0x10];
	[tilespmem:v14+s16+$0x0] =	vst.idx.msk $0xffff, v52;
	v2 =	vmul.f32 $8.000000000e+00, v18  }
0x13e: {  	v54 =	vld [tilespmem:s29+$0x50];
	[tilespmem:v22+s16+$0x0] =	vst.idx.msk $0xffff, v3  }
0x13f: {  	v53 =	vadd.s32 v19, v45;
	v56 =	vld [tilespmem:s29+$0x90];
	[tilespmem:v26+s16+$0x0] =	vst.idx.msk $0xffff, v2  }
0x140: {  	v55 =	vadd.s32 v23, v46;
	v3 =	vmul.f32 $8.000000000e+00, v25;
	v25 =	vld [tilespmem:$0x1FFF0]  }
0x141: {  	v58 =	vadd.s32 v27, v43;
	v40 =	vld [tilespmem:s29+$0xFFFFFF20]  }
0x142: {  	v59 =	vadd.s32 v31, v42;
	v60 =	vld [tilespmem:s29+$0xFFFFFF60]  }
0x143: {  	v62 =	vadd.s32 v8, v38;
	v35 =	vld [tilespmem:s29+$0xE0];
	v2 =	vmul.f32 $8.000000000e+00, v30  }
0x144: {  	v14 =	vadd.s32 v12, v47;
	[tilespmem:v53+s16+$0x0] =	vst.idx.msk $0xffff, v3;
	v3 =	vmul.f32 $8.000000000e+00, v54  }
0x145: {  	v63 =	vld [tilespmem:s29+$0xFFFFFFA0];
	[tilespmem:v55+s16+$0x0] =	vst.idx.msk $0xffff, v2;
	v2 =	vmul.f32 $8.000000000e+00, v56;
	v61 =	vadd.s32 v25, v0  }
0x146: {  	v15 =	vld [tilespmem:s29+$0xFFFFFFE0];
	[tilespmem:v58+s16+$0x0] =	vst.idx.msk $0xffff, v3;
	v19 =	vmul.f32 $8.000000000e+00, v40  }
0x147: {  	v16 =	vadd.s32 v16, v44;
	[tilespmem:v59+s16+$0x0] =	vst.idx.msk $0xffff, v2;
	v2 =	vmul.f32 $8.000000000e+00, v60  }
0x148: {  	v22 =	vadd.s32 v20, v45;
	v18 =	vld [tilespmem:s29+$0x20];
	v3 =	vmul.f32 $8.000000000e+00, v35;
	[tilespmem:v62+s16+$0x0] =	vst.idx.msk $0xffff, v19  }
0x149: {  	v23 =	vld [tilespmem:s29+$0x60];
	[tilespmem:v14+s16+$0x0] =	vst.idx.msk $0xffff, v2  }
0x14a: {  	v27 =	vld [tilespmem:s29+$0xA0];
	[tilespmem:v61+s16+$0x0] =	vst.idx.msk $0xffff, v3;
	v3 =	vmul.f32 $8.000000000e+00, v63  }
0x14b: {  	v2 =	vmul.f32 $8.000000000e+00, v15;
	v5 =	vld [tilespmem:$0x1FFC0]  }
0x14c: {  	v26 =	vadd.s32 v24, v46;
	v34 =	vld [tilespmem:s29+$0xF0];
	[tilespmem:v16+s16+$0x0] =	vst.idx.msk $0xffff, v3  }
0x14d: {  	v30 =	vadd.s32 v28, v43;
	v49 =	vld [tilespmem:$0x1FE80];
	[tilespmem:v22+s16+$0x0] =	vst.idx.msk $0xffff, v2  }
0x14e: {  	v53 =	vld [tilespmem:$0x1FE10]  }
0x14f: {  	v0 =	vadd.s32 v57, v0;
	v3 =	vmul.f32 $8.000000000e+00, v18  }
0x150: {  	v52 =	vld [tilespmem:s29+$0xFFFFFFB0];
	v2 =	vmul.f32 $8.000000000e+00, v23;
	v5 =	vadd.s32 v5, v42  }
0x151: {  	v31 =	vld [tilespmem:s29+$0xFFFFFF70];
	[tilespmem:v26+s16+$0x0] =	vst.idx.msk $0xffff, v3  }
0x152: {  	v56 =	vadd.s32 v29, v44;
	v57 =	vld [tilespmem:s29+$0x30];
	[tilespmem:v30+s16+$0x0] =	vst.idx.msk $0xffff, v2;
	v2 =	vmul.f32 $8.000000000e+00, v34  }
0x153: {  	v55 =	vld [tilespmem:s29+$0xFFFFFFF0];
	v3 =	vmul.f32 $8.000000000e+00, v27;
	v54 =	vadd.s32 v53, v47  }
0x154: {  	v41 =	vld [tilespmem:s29+$0xFFFFFF30];
	v61 =	vadd.s32 v50, v46;
	[tilespmem:v0+s16+$0x0] =	vst.idx.msk $0xffff, v2  }
0x155: {  	v59 =	vadd.s32 v9, v45;
	v60 =	vld [tilespmem:s29+$0x70];
	v0 =	vmul.f32 $8.000000000e+00, v52;
	[tilespmem:v5+s16+$0x0] =	vst.idx.msk $0xffff, v3  }
0x156: {  	v51 =	vadd.s32 v49, v38;
	v3 =	vmul.f32 $8.000000000e+00, v31;
	v62 =	vld [tilespmem:s29+$0xB0]  }
0x157: {  	v2 =	vadd.s32 v17, v43;
	[tilespmem:v56+s16+$0x0] =	vst.idx.msk $0xffff, v0;
	v0 =	vmul.f32 $8.000000000e+00, v57  }
0x158: {  	v63 =	vadd.s32 v13, v42;
	[tilespmem:v54+s16+$0x0] =	vst.idx.msk $0xffff, v3;
	v3 =	vmul.f32 $8.000000000e+00, v55  }
0x159: {  	v58 =	vmul.f32 $8.000000000e+00, v41;
	[tilespmem:v61+s16+$0x0] =	vst.idx.msk $0xffff, v0  }
0x15a: {  	[tilespmem:v59+s16+$0x0] =	vst.idx.msk $0xffff, v3;
	v3 =	vmul.f32 $8.000000000e+00, v60  }
0x15b: {  	[tilespmem:v51+s16+$0x0] =	vst.idx.msk $0xffff, v58;
	v0 =	vmul.f32 $8.000000000e+00, v62  }
0x15c: {  	s28 =	sadd.s32 s28, s5;
	[tilespmem:v2+s16+$0x0] =	vst.idx.msk $0xffff, v3  }
0x15d: {  	s30 =	simm.s32 $0x10600;
	s29 =	sadd.s32 $0x10, s28;
	[tilespmem:v63+s16+$0x0] =	vst.idx.msk $0xffff, v0  }
0x15e: {  	[hbm4b:s29+s1] =	stream.linear.scatter [tilespmem:s30], [sflag:$0x6], $0x80, $0x38;
	[tilespmem:$0x16C00] =	vst v63  }
0x15f: {  	v9 =	vmov v25;
	v63 =	vmov v21;
	s30 =	simm.s32 $0x220  }
.LBB2_9:
0x160: {  	p0 =	sne.s32 s30, $0x85E0  }
.Ltmp3:
0x161: {  	_ = 	snop;
	(pc) =	sbr.rel @p0 .LBB2_9-.Ltmp3, $4  }
0x162: {  	_ = 	snop  }
0x163: {  	s31 =	sshra.s32 s30, $0x2;
	s30 =	sadd.s32 $0x220, s30  }
0x164: {  	s29 =	sadd.s32 $0x800, s29;
	s31 =	sadd.s32 $0x10600, s31  }
0x165: {  	[hbm4b:s29+s1] =	stream.linear.scatter [tilespmem:s31], [sflag:$0x6], $0x80, $0x38;
	[tilespmem:$0x16C00] =	vst v63  }
0x166: {  	s29 =	simm.s32 $0x0;
	_ =	swait.ge [sflag:s17], $0x2000  }
0x167: {  	s31 =	simm.s32 $0x3;
	v0 =	vmov s29;
	s29 =	simm.s32 $0x1;
	v22 =	vld [tilespmem:$0x1FFE0]  }
0x168: {  	v4 =	vmov s31;
	v6 =	vld [tilespmem:$0x1FE50];
	v2 =	vmov s29;
	s29 =	simm.s32 $0x4  }
0x169: {  	v10 =	vld [tilespmem:$0x1FE90];
	v4 =	vshrl.u32 v4, $0x3;
	v5 =	vmov s29;
	s29 =	simm.s32 $0x7  }
0x16a: {  	[sflag:s17] =	ssyncset.done $0x0;
	v7 =	vld [tilespmem:$0x1FF00];
	v0 =	vshrl.u32 v0, $0x3;
	v4 =	vshll.u32 v4, v1;
	v35 =	vmov s29  }
0x16b: {  	s30 =	simm.s32 $0x2;
	[sflag:s17] =	ssyncadd.s32 $0xFFFFE000;
	v0 =	vshll.u32 v0, v1;
	s29 =	simm.s32 $0xA500;
	v36 =	vbroadcast v4, $0x0;
	v4 =	vld [tilespmem:$0x1FEC0];
	v35 =	vshrl.u32 v35, $0x3  }
0x16c: {  	v3 =	vmov s30;
	v39 =	vbroadcast v0, $0x0;
	v38 =	vld [tilespmem:s29+$0xFFFFFF00];
	v35 =	vshll.u32 v35, v1  }
0x16d: {  	v3 =	vshrl.u32 v3, $0x3;
	v2 =	vshrl.u32 v2, $0x3;
	v0 =	vld [tilespmem:s29+$0xC0];
	v41 =	vbroadcast v35, $0x0  }
0x16e: {  	v3 =	vshll.u32 v3, v1;
	v2 =	vshll.u32 v2, v1;
	v42 =	vld [tilespmem:s29+$0xFFFFFF40];
	v43 =	vadd.s32 v6, v39  }
0x16f: {  	v5 =	vshrl.u32 v5, $0x3;
	v40 =	vbroadcast v2, $0x0;
	v44 =	vld [tilespmem:s29+$0xFFFFFF80];
	v2 =	vadd.s32 v22, v41  }
0x170: {  	v37 =	vbroadcast v3, $0x0;
	v5 =	vshll.u32 v5, v1;
	v46 =	vld [tilespmem:s29+$0xFFFFFFC0]  }
0x171: {  	s31 =	simm.s32 $0x6;
	v47 =	vld [tilespmem:s29+$0x0];
	v45 =	vadd.s32 v10, v40;
	v35 =	vbroadcast v5, $0x0;
	v5 =	vmul.f32 $8.000000000e+00, v38  }
0x172: {  	v34 =	vmov s31;
	v56 =	vadd.s32 v7, v36;
	v7 =	vld [tilespmem:$0x1FF30];
	v0 =	vmul.f32 $8.000000000e+00, v0  }
0x173: {  	v34 =	vshrl.u32 v34, $0x3;
	v48 =	vld [tilespmem:s29+$0x40];
	v4 =	vadd.s32 v4, v37;
	[tilespmem:v43+s18+$0x0] =	vst.idx.msk $0xffff, v5  }
0x174: {  	s30 =	simm.s32 $0x5;
	v3 =	vshll.u32 v34, v1;
	v50 =	vld [tilespmem:s29+$0x80];
	v42 =	vmul.f32 $8.000000000e+00, v42;
	[tilespmem:v2+s18+$0x0] =	vst.idx.msk $0xffff, v0  }
0x175: {  	v33 =	vmov s30;
	v34 =	vbroadcast v3, $0x0;
	v3 =	vld [tilespmem:$0x1FF60]  }
0x176: {  	v33 =	vshrl.u32 v33, $0x3;
	v43 =	vld [tilespmem:s29+$0xFFFFFF10];
	v2 =	vmul.f32 $8.000000000e+00, v44;
	[tilespmem:v45+s18+$0x0] =	vst.idx.msk $0xffff, v42  }
0x177: {  	v33 =	vshll.u32 v33, v1;
	v49 =	vadd.s32 v7, v35;
	v30 =	vld [tilespmem:$0x1FFA0]  }
0x178: {  	v33 =	vbroadcast v33, $0x0;
	v57 =	vmul.f32 $8.000000000e+00, v46;
	v5 =	vld [tilespmem:s29+$0xD0];
	[tilespmem:v4+s18+$0x0] =	vst.idx.msk $0xffff, v2  }
0x179: {  	v7 =	vld [tilespmem:$0x1FE60]  }
0x17a: {  	v59 =	vld [tilespmem:s29+$0xFFFFFF50];
	v2 =	vmul.f32 $8.000000000e+00, v47;
	[tilespmem:v56+s18+$0x0] =	vst.idx.msk $0xffff, v57;
	v3 =	vadd.s32 v3, v33  }
0x17b: {  	v11 =	vld [tilespmem:$0x1FEA0]  }
0x17c: {  	v52 =	vld [tilespmem:s29+$0xFFFFFF90];
	[tilespmem:v49+s18+$0x0] =	vst.idx.msk $0xffff, v2;
	v58 =	vadd.s32 v30, v34  }
0x17d: {  	v60 =	vmul.f32 $8.000000000e+00, v48;
	v4 =	vadd.s32 v63, v41;
	v15 =	vld [tilespmem:$0x1FED0]  }
0x17e: {  	v53 =	vld [tilespmem:s29+$0xFFFFFFD0];
	v51 =	vadd.s32 v7, v39  }
0x17f: {  	v2 =	vmul.f32 $8.000000000e+00, v50;
	v54 =	vld [tilespmem:s29+$0x10];
	[tilespmem:v3+s18+$0x0] =	vst.idx.msk $0xffff, v60  }
0x180: {  	v48 =	vadd.s32 v11, v40;
	v3 =	vmul.f32 $8.000000000e+00, v5;
	v19 =	vld [tilespmem:$0x1FF10]  }
0x181: {  	v61 =	vmul.f32 $8.000000000e+00, v43;
	v55 =	vld [tilespmem:s29+$0x50];
	[tilespmem:v58+s18+$0x0] =	vst.idx.msk $0xffff, v2  }
0x182: {  	v50 =	vadd.s32 v15, v37;
	v23 =	vld [tilespmem:$0x1FF40];
	[tilespmem:v4+s18+$0x0] =	vst.idx.msk $0xffff, v3  }
0x183: {  	v32 =	vmul.f32 $8.000000000e+00, v59;
	v56 =	vld [tilespmem:s29+$0x90];
	[tilespmem:v51+s18+$0x0] =	vst.idx.msk $0xffff, v61  }
0x184: {  	v27 =	vld [tilespmem:$0x1FF70]  }
0x185: {  	s30 =	simm.s32 $0x8;
	v3 =	vmul.f32 $8.000000000e+00, v52;
	v60 =	vld [tilespmem:s29+$0xE0];
	[tilespmem:v48+s18+$0x0] =	vst.idx.msk $0xffff, v32;
	v62 =	vadd.s32 v19, v36  }
0x186: {  	v0 =	vmov s30;
	s30 =	simm.s32 $0x9;
	v31 =	vld [tilespmem:$0x1FFB0]  }
0x187: {  	v45 =	vmov s30;
	s30 =	simm.s32 $0xA;
	v51 =	vld [tilespmem:s29+$0xFFFFFF20];
	[tilespmem:v50+s18+$0x0] =	vst.idx.msk $0xffff, v3;
	v46 =	vadd.s32 v23, v35  }
0x188: {  	v47 =	vmov s30;
	v61 =	vmul.f32 $8.000000000e+00, v53;
	v8 =	vld [tilespmem:$0x1FE70]  }
0x189: {  	v52 =	vshrl.u32 v47, $0x3;
	v47 =	vld [tilespmem:s29+$0xFFFFFF60];
	v4 =	vadd.s32 v27, v33  }
0x18a: {  	v3 =	vmul.f32 $8.000000000e+00, v54;
	v57 =	vld [tilespmem:s29+$0xFFFFFFA0];
	[tilespmem:v62+s18+$0x0] =	vst.idx.msk $0xffff, v61  }
0x18b: {  	s30 =	simm.s32 $0xB;
	v48 =	vadd.s32 v31, v34;
	v12 =	vld [tilespmem:$0x1FEB0]  }
0x18c: {  	v42 =	vmov s30;
	s30 =	simm.s32 $0xC;
	v50 =	vadd.s32 v9, v41;
	v62 =	vmul.f32 $8.000000000e+00, v55;
	v58 =	vld [tilespmem:s29+$0xFFFFFFE0];
	[tilespmem:v46+s18+$0x0] =	vst.idx.msk $0xffff, v3  }
0x18d: {  	v49 =	vmov s30;
	s30 =	simm.s32 $0xD;
	v54 =	vadd.s32 v8, v39;
	v16 =	vld [tilespmem:$0x1FEE0]  }
0x18e: {  	v5 =	vmov s30;
	s30 =	simm.s32 $0xE;
	v3 =	vmul.f32 $8.000000000e+00, v56;
	v59 =	vld [tilespmem:s29+$0x20];
	[tilespmem:v4+s18+$0x0] =	vst.idx.msk $0xffff, v62  }
0x18f: {  	v2 =	vmov s30;
	v53 =	vshrl.u32 v42, $0x3;
	v4 =	vmul.f32 $8.000000000e+00, v60;
	v20 =	vld [tilespmem:$0x1FE20]  }
0x190: {  	v42 =	vshrl.u32 v2, $0x3;
	v2 =	vmul.f32 $8.000000000e+00, v51;
	v61 =	vld [tilespmem:s29+$0x60];
	[tilespmem:v48+s18+$0x0] =	vst.idx.msk $0xffff, v3;
	v32 =	vadd.s32 v12, v40  }
0x191: {  	v0 =	vshrl.u32 v0, $0x3;
	v24 =	vld [tilespmem:$0x1FE30];
	[tilespmem:v50+s18+$0x0] =	vst.idx.msk $0xffff, v4  }
0x192: {  	v0 =	vshll.u32 v0, v1;
	v62 =	vld [tilespmem:s29+$0xA0];
	[tilespmem:v54+s18+$0x0] =	vst.idx.msk $0xffff, v2;
	v46 =	vadd.s32 v16, v37  }
0x193: {  	v38 =	vbroadcast v0, $0x0;
	v0 =	vmul.f32 $8.000000000e+00, v47;
	v28 =	vld [tilespmem:$0x1FF80]  }
0x194: {  	v56 =	vld [tilespmem:s29+$0xF0]  }
0x195: {  	v2 =	vmul.f32 $8.000000000e+00, v57;
	v50 =	vld [tilespmem:s29+$0xFFFFFF30];
	v60 =	vadd.s32 v20, v36;
	[tilespmem:v32+s18+$0x0] =	vst.idx.msk $0xffff, v0  }
0x196: {  	v32 =	vld [tilespmem:$0x1FFC0]  }
0x197: {  	v44 =	vshll.u32 v52, v1;
	v3 =	vadd.s32 v24, v35;
	v52 =	vld [tilespmem:s29+$0xFFFFFF70];
	[tilespmem:v46+s18+$0x0] =	vst.idx.msk $0xffff, v2  }
0x198: {  	v0 =	vmul.f32 $8.000000000e+00, v58;
	v4 =	vld [tilespmem:$0x1FE40]  }
0x199: {  	v26 =	vld [tilespmem:$0x1FE80]  }
0x19a: {  	v43 =	vshrl.u32 v49, $0x3;
	v2 =	vmul.f32 $8.000000000e+00, v59;
	v49 =	vld [tilespmem:s29+$0xFFFFFFB0];
	[tilespmem:v60+s18+$0x0] =	vst.idx.msk $0xffff, v0  }
0x19b: {  	v13 =	vld [tilespmem:$0x1FE10]  }
0x19c: {  	v54 =	vld [tilespmem:s29+$0xFFFFFFF0];
	[tilespmem:v3+s18+$0x0] =	vst.idx.msk $0xffff, v2  }
0x19d: {  	v45 =	vshrl.u32 v45, $0x3;
	v17 =	vld [tilespmem:$0x1FEF0]  }
0x19e: {  	v5 =	vshrl.u32 v5, $0x3;
	v47 =	vshll.u32 v45, v1;
	v45 =	vshll.u32 v53, v1;
	v21 =	vld [tilespmem:$0x1FF20]  }
0x19f: {  	v55 =	vadd.s32 v28, v33;
	v46 =	vshll.u32 v43, v1;
	v25 =	vld [tilespmem:$0x1FF50];
	v51 =	vadd.s32 v32, v34  }
0x1a0: {  	v43 =	vshll.u32 v5, v1;
	v29 =	vld [tilespmem:$0x1FF90];
	v53 =	vadd.s32 v4, v41;
	v48 =	vadd.s32 v26, v39  }
0x1a1: {  	s31 =	simm.s32 $0xF;
	s30 =	simm.s32 $0x10;
	v18 =	vld [tilespmem:$0x1FFD0];
	v39 =	vmul.f32 $8.000000000e+00, v61;
	v41 =	vadd.s32 v13, v40;
	v40 =	vmul.f32 $8.000000000e+00, v62  }
.LBB2_11:
0x1a2: {  	v14 =	vld [tilespmem:$0x1FEC0];
	_ =	sdelay $0x1  }
0x1a3: {  	v0 =	vmov s31;
	v2 =	vadd.s32 v17, v37;
	v3 =	vld [tilespmem:s29+$0x30];
	[tilespmem:v51+s18+$0x0] =	vst.idx.msk $0xffff, v40  }
0x1a4: {  	v37 =	vbroadcast v44, $0x0;
	[tilespmem:v55+s18+$0x0] =	vst.idx.msk $0xffff, v39;
	v0 =	vshrl.u32 v0, $0x3;
	v58 =	vld [tilespmem:s29+$0xB0];
	v4 =	vmul.f32 $8.000000000e+00, v56  }
0x1a5: {  	v36 =	vadd.s32 v21, v36;
	v0 =	vshll.u32 v0, v1;
	v5 =	vmul.f32 $8.000000000e+00, v50;
	v56 =	vld [tilespmem:s29+$0x70]  }
0x1a6: {  	v57 =	vmul.f32 $8.000000000e+00, v52;
	s29 =	sadd.s32 $0x200, s29;
	v60 =	vmul.f32 $8.000000000e+00, v54;
	v54 =	vadd.s32 v14, v37;
	v14 =	vld [tilespmem:$0x1FF00];
	[tilespmem:v53+s18+$0x0] =	vst.idx.msk $0xffff, v4  }
0x1a7: {  	v40 =	vbroadcast v0, $0x0;
	v0 =	vmul.f32 $8.000000000e+00, v49;
	[tilespmem:v48+s18+$0x0] =	vst.idx.msk $0xffff, v5;
	v4 =	vld [tilespmem:s29+$0xC0]  }
0x1a8: {  	v35 =	vadd.s32 v25, v35;
	[tilespmem:v41+s18+$0x0] =	vst.idx.msk $0xffff, v57;
	v59 =	vld [tilespmem:s29+$0xFFFFFF00]  }
0x1a9: {  	v5 =	vadd.s32 v29, v33;
	v41 =	vbroadcast v47, $0x0;
	[tilespmem:v2+s18+$0x0] =	vst.idx.msk $0xffff, v0;
	v61 =	vld [tilespmem:s29+$0xFFFFFF40]  }
0x1aa: {  	v34 =	vadd.s32 v18, v34;
	v39 =	vmovc v38;
	v0 =	vmul.f32 $8.000000000e+00, v3;
	[tilespmem:v36+s18+$0x0] =	vst.idx.msk $0xffff, v60;
	v36 =	vbroadcast v45, $0x0;
	v3 =	vld [tilespmem:s29+$0xFFFFFF80]  }
0x1ab: {  	v2 =	vadd.s32 v6, v39;
	v48 =	vld [tilespmem:s29+$0xFFFFFFC0]  }
0x1ac: {  	v53 =	vadd.s32 v10, v41;
	v38 =	vmul.f32 $8.000000000e+00, v56;
	v62 =	vadd.s32 v14, v36;
	v14 =	vld [tilespmem:$0x1FF30]  }
0x1ad: {  	v52 =	vadd.s32 v22, v40;
	[tilespmem:v35+s18+$0x0] =	vst.idx.msk $0xffff, v0;
	v0 =	vmul.f32 $8.000000000e+00, v58  }
0x1ae: {  	[tilespmem:v5+s18+$0x0] =	vst.idx.msk $0xffff, v38;
	v5 =	vmul.f32 $8.000000000e+00, v59  }
0x1af: {  	v35 =	vbroadcast v46, $0x0;
	v55 =	vld [tilespmem:s29+$0x0];
	[tilespmem:v34+s18+$0x0] =	vst.idx.msk $0xffff, v0;
	v0 =	vmul.f32 $8.000000000e+00, v61  }
0x1b0: {  	v42 =	vshll.u32 v42, v1;
	v4 =	vmul.f32 $8.000000000e+00, v4;
	[tilespmem:v2+s18+$0x0] =	vst.idx.msk $0xffff, v5;
	v2 =	vmul.f32 $8.000000000e+00, v3;
	v3 =	vld [tilespmem:$0x1FF60]  }
0x1b1: {  	v34 =	vbroadcast v42, $0x0;
	v58 =	vld [tilespmem:s29+$0x80];
	[tilespmem:v53+s18+$0x0] =	vst.idx.msk $0xffff, v0;
	v0 =	vmul.f32 $8.000000000e+00, v48;
	v57 =	vadd.s32 v14, v35  }
0x1b2: {  	[tilespmem:v52+s18+$0x0] =	vst.idx.msk $0xffff, v4;
	v61 =	vld [tilespmem:s29+$0xFFFFFF50]  }
0x1b3: {  	v33 =	vbroadcast v43, $0x0;
	v56 =	vld [tilespmem:s29+$0x40];
	v60 =	vadd.s32 v30, v34;
	[tilespmem:v62+s18+$0x0] =	vst.idx.msk $0xffff, v0  }
0x1b4: {  	v46 =	vadd.s32 v11, v41;
	[tilespmem:v54+s18+$0x0] =	vst.idx.msk $0xffff, v2;
	v2 =	vmul.f32 $8.000000000e+00, v55;
	v53 =	vld [tilespmem:s29+$0xFFFFFFD0]  }
0x1b5: {  	v5 =	vld [tilespmem:s29+$0xD0];
	v3 =	vadd.s32 v3, v33  }
0x1b6: {  	v42 =	vadd.s32 v19, v36;
	v59 =	vld [tilespmem:s29+$0xFFFFFF10];
	[tilespmem:v57+s18+$0x0] =	vst.idx.msk $0xffff, v2;
	v2 =	vmul.f32 $8.000000000e+00, v58  }
0x1b7: {  	v45 =	vadd.s32 v63, v40;
	v62 =	vmul.f32 $8.000000000e+00, v61  }
0x1b8: {  	v51 =	vadd.s32 v7, v39;
	v52 =	vld [tilespmem:s29+$0xFFFFFF90];
	v0 =	vmul.f32 $8.000000000e+00, v56;
	[tilespmem:v60+s18+$0x0] =	vst.idx.msk $0xffff, v2  }
0x1b9: {  	s31 =	sadd.s32 $0x1, s30;
	v54 =	vld [tilespmem:s29+$0x10];
	[tilespmem:v46+s18+$0x0] =	vst.idx.msk $0xffff, v62;
	v62 =	vmul.f32 $8.000000000e+00, v53  }
0x1ba: {  	v49 =	vadd.s32 v15, v37;
	v47 =	vmov s31;
	s31 =	sadd.s32 $0x2, s30;
	v61 =	vld [tilespmem:s29+$0x90];
	[tilespmem:v3+s18+$0x0] =	vst.idx.msk $0xffff, v0;
	v0 =	vmul.f32 $8.000000000e+00, v5  }
0x1bb: {  	v50 =	vmov s31;
	s31 =	sadd.s32 $0x3, s30;
	v4 =	vmov s30;
	v5 =	vmul.f32 $8.000000000e+00, v59;
	[tilespmem:v42+s18+$0x0] =	vst.idx.msk $0xffff, v62;
	v55 =	vld [tilespmem:s29+$0x50]  }
0x1bc: {  	v38 =	vmov s31;
	v4 =	vshrl.u32 v4, $0x3;
	v60 =	vadd.s32 v23, v35;
	v59 =	vld [tilespmem:s29+$0xFFFFFFE0];
	[tilespmem:v45+s18+$0x0] =	vst.idx.msk $0xffff, v0  }
0x1bd: {  	s31 =	sadd.s32 $0x4, s30;
	v0 =	vshll.u32 v4, v1;
	[tilespmem:v51+s18+$0x0] =	vst.idx.msk $0xffff, v5;
	v4 =	vmul.f32 $8.000000000e+00, v52;
	v5 =	vadd.s32 v27, v33;
	v52 =	vld [tilespmem:s29+$0xFFFFFF60]  }
0x1be: {  	v43 =	vmov s31;
	v46 =	vadd.s32 v31, v34;
	v51 =	vld [tilespmem:s29+$0xFFFFFF20]  }
0x1bf: {  	s31 =	sadd.s32 $0x5, s30;
	v58 =	vadd.s32 v12, v41;
	v53 =	vshrl.u32 v38, $0x3;
	v45 =	vld [tilespmem:s29+$0xE0];
	[tilespmem:v49+s18+$0x0] =	vst.idx.msk $0xffff, v4;
	v4 =	vmul.f32 $8.000000000e+00, v54  }
0x1c0: {  	v3 =	vmov s31;
	s31 =	sadd.s32 $0x6, s30;
	v54 =	vadd.s32 v8, v39;
	v57 =	vld [tilespmem:s29+$0xFFFFFFA0];
	v55 =	vmul.f32 $8.000000000e+00, v55  }
0x1c1: {  	v2 =	vmov s31;
	v49 =	vadd.s32 v9, v40;
	[tilespmem:v60+s18+$0x0] =	vst.idx.msk $0xffff, v4;
	v4 =	vmul.f32 $8.000000000e+00, v61  }
0x1c2: {  	v38 =	vbroadcast v0, $0x0;
	v61 =	vadd.s32 v20, v36;
	v60 =	vld [tilespmem:s29+$0x20];
	v0 =	vmul.f32 $8.000000000e+00, v52;
	[tilespmem:v5+s18+$0x0] =	vst.idx.msk $0xffff, v55  }
0x1c3: {  	v48 =	vadd.s32 v16, v37;
	v42 =	vshrl.u32 v2, $0x3;
	v2 =	vmul.f32 $8.000000000e+00, v51;
	[tilespmem:v46+s18+$0x0] =	vst.idx.msk $0xffff, v4;
	v62 =	vld [tilespmem:s29+$0x60]  }
0x1c4: {  	v47 =	vshrl.u32 v47, $0x3;
	v50 =	vshrl.u32 v50, $0x3;
	v14 =	vmovc v63;
	v5 =	vmul.f32 $8.000000000e+00, v45;
	v63 =	vld [tilespmem:s29+$0xA0];
	[tilespmem:v58+s18+$0x0] =	vst.idx.msk $0xffff, v0  }
0x1c5: {  	p0 =	slt.u32 s30, $0x78;
	v4 =	vadd.s32 v24, v35;
	v0 =	vmul.f32 $8.000000000e+00, v59;
	[tilespmem:v54+s18+$0x0] =	vst.idx.msk $0xffff, v2;
	v2 =	vmul.f32 $8.000000000e+00, v57;
	v57 =	vld [tilespmem:$0x1FE40]  }
.Ltmp4:
0x1c6: {  	v47 =	vshll.u32 v47, v1;
	v44 =	vshll.u32 v50, v1;
	v43 =	vshrl.u32 v43, $0x3;
	[tilespmem:v49+s18+$0x0] =	vst.idx.msk $0xffff, v5;
	v52 =	vld [tilespmem:s29+$0xFFFFFF70];
	(pc) =	sbr.rel @p0 .LBB2_11-.Ltmp4, $4  }
0x1c7: {  	v41 =	vadd.s32 v13, v41;
	v3 =	vshrl.u32 v3, $0x3;
	v55 =	vadd.s32 v28, v33;
	v56 =	vld [tilespmem:s29+$0xF0];
	[tilespmem:v61+s18+$0x0] =	vst.idx.msk $0xffff, v0  }
0x1c8: {  	v51 =	vadd.s32 v32, v34;
	v45 =	vshll.u32 v53, v1;
	v50 =	vld [tilespmem:s29+$0xFFFFFF30];
	[tilespmem:v48+s18+$0x0] =	vst.idx.msk $0xffff, v2;
	v2 =	vmul.f32 $8.000000000e+00, v60  }
0x1c9: {  	v46 =	vshll.u32 v43, v1;
	v43 =	vshll.u32 v3, v1;
	v48 =	vadd.s32 v26, v39;
	v54 =	vld [tilespmem:s29+$0xFFFFFFF0]  }
0x1ca: {  	s31 =	sadd.s32 $0x7, s30;
	s30 =	sadd.s32 $0x8, s30;
	v49 =	vld [tilespmem:s29+$0xFFFFFFB0];
	v39 =	vmul.f32 $8.000000000e+00, v62;
	[tilespmem:v4+s18+$0x0] =	vst.idx.msk $0xffff, v2;
	v53 =	vadd.s32 v57, v40;
	v40 =	vmul.f32 $8.000000000e+00, v63;
	v63 =	vmovc v14  }
0x1cb: {  	_ =	sdelay $0x3  }
0x1cc: {  	v0 =	vmov s31;
	v2 =	vadd.s32 v17, v37;
	v3 =	vld [tilespmem:s29+$0x30];
	[tilespmem:v55+s18+$0x0] =	vst.idx.msk $0xffff, v39;
	v4 =	vmul.f32 $8.000000000e+00, v56  }
0x1cd: {  	v36 =	vadd.s32 v21, v36;
	v0 =	vshrl.u32 v0, $0x3;
	[tilespmem:v51+s18+$0x0] =	vst.idx.msk $0xffff, v40;
	v56 =	vmul.f32 $8.000000000e+00, v52;
	v55 =	vld [tilespmem:s29+$0x70]  }
0x1ce: {  	v35 =	vadd.s32 v25, v35;
	v5 =	vmul.f32 $8.000000000e+00, v50;
	v0 =	vshll.u32 v0, v1;
	v40 =	vld [tilespmem:s29+$0xB0];
	s29 =	sadd.s32 $0x200, s29;
	[tilespmem:v53+s18+$0x0] =	vst.idx.msk $0xffff, v4  }
0x1cf: {  	v33 =	vadd.s32 v29, v33;
	v58 =	vld [tilespmem:s29+$0xC0];
	v0 =	vbroadcast v0, $0x0;
	[tilespmem:v41+s18+$0x0] =	vst.idx.msk $0xffff, v56;
	v59 =	vmul.f32 $8.000000000e+00, v49  }
0x1d0: {  	v34 =	vadd.s32 v18, v34;
	v60 =	vld [tilespmem:s29+$0xFFFFFF00];
	v61 =	vmul.f32 $8.000000000e+00, v54;
	[tilespmem:v48+s18+$0x0] =	vst.idx.msk $0xffff, v5  }
0x1d1: {  	v49 =	vadd.s32 v22, v0;
	[tilespmem:v2+s18+$0x0] =	vst.idx.msk $0xffff, v59;
	v2 =	vmul.f32 $8.000000000e+00, v3  }
0x1d2: {  	[tilespmem:v36+s18+$0x0] =	vst.idx.msk $0xffff, v61;
	v3 =	vadd.s32 v6, v38;
	v51 =	vmul.f32 $8.000000000e+00, v55  }
0x1d3: {  	v62 =	vld [tilespmem:s29+$0xFFFFFF40];
	[tilespmem:v35+s18+$0x0] =	vst.idx.msk $0xffff, v2;
	v2 =	vmul.f32 $8.000000000e+00, v40  }
0x1d4: {  	v4 =	vmul.f32 $8.000000000e+00, v58;
	v53 =	vld [tilespmem:$0x1FEC0];
	[tilespmem:v33+s18+$0x0] =	vst.idx.msk $0xffff, v51  }
0x1d5: {  	v55 =	vmul.f32 $8.000000000e+00, v60;
	v56 =	vld [tilespmem:$0x1FF00];
	[tilespmem:v34+s18+$0x0] =	vst.idx.msk $0xffff, v2  }
0x1d6: {  	v60 =	vld [tilespmem:$0x1FF30];
	[tilespmem:v49+s18+$0x0] =	vst.idx.msk $0xffff, v4  }
0x1d7: {  	v47 =	vbroadcast v47, $0x0;
	v22 =	vld [tilespmem:s29+$0xFFFFFF80];
	[tilespmem:v3+s18+$0x0] =	vst.idx.msk $0xffff, v55  }
0x1d8: {  	v44 =	vbroadcast v44, $0x0;
	v4 =	vld [tilespmem:$0x1FF60]  }
0x1d9: {  	v45 =	vbroadcast v45, $0x0;
	v37 =	vadd.s32 v10, v47;
	v52 =	vld [tilespmem:s29+$0xFFFFFFC0]  }
0x1da: {  	v46 =	vbroadcast v46, $0x0;
	v54 =	vld [tilespmem:s29+$0x0];
	v35 =	vadd.s32 v53, v44  }
0x1db: {  	v42 =	vshll.u32 v42, v1;
	v43 =	vbroadcast v43, $0x0;
	v59 =	vld [tilespmem:s29+$0x40];
	v58 =	vadd.s32 v56, v45  }
0x1dc: {  	v42 =	vbroadcast v42, $0x0;
	v2 =	vmul.f32 $8.000000000e+00, v62;
	v62 =	vld [tilespmem:s29+$0x80];
	v61 =	vadd.s32 v60, v46  }
0x1dd: {  	v3 =	vmul.f32 $8.000000000e+00, v22;
	v33 =	vld [tilespmem:s29+$0xFFFFFF10];
	v4 =	vadd.s32 v4, v43  }
0x1de: {  	v22 =	vld [tilespmem:s29+$0xD0];
	[tilespmem:v37+s18+$0x0] =	vst.idx.msk $0xffff, v2;
	v2 =	vmul.f32 $8.000000000e+00, v52;
	v52 =	vadd.s32 v30, v42  }
0x1df: {  	v55 =	vadd.s32 v7, v38;
	v53 =	vld [tilespmem:s29+$0xFFFFFF50];
	[tilespmem:v35+s18+$0x0] =	vst.idx.msk $0xffff, v3;
	v3 =	vmul.f32 $8.000000000e+00, v54  }
0x1e0: {  	v54 =	vadd.s32 v63, v0;
	v56 =	vld [tilespmem:s29+$0xFFFFFF90];
	[tilespmem:v58+s18+$0x0] =	vst.idx.msk $0xffff, v2;
	v2 =	vmul.f32 $8.000000000e+00, v59  }
0x1e1: {  	v58 =	vadd.s32 v11, v47;
	v59 =	vld [tilespmem:s29+$0xFFFFFFD0];
	[tilespmem:v61+s18+$0x0] =	vst.idx.msk $0xffff, v3;
	v3 =	vmul.f32 $8.000000000e+00, v62  }
0x1e2: {  	v60 =	vadd.s32 v15, v44;
	v62 =	vmul.f32 $8.000000000e+00, v33;
	v61 =	vld [tilespmem:s29+$0x10];
	[tilespmem:v4+s18+$0x0] =	vst.idx.msk $0xffff, v2  }
0x1e3: {  	v19 =	vadd.s32 v19, v45;
	v2 =	vmul.f32 $8.000000000e+00, v22;
	v22 =	vld [tilespmem:s29+$0x50];
	[tilespmem:v52+s18+$0x0] =	vst.idx.msk $0xffff, v3  }
0x1e4: {  	v30 =	vadd.s32 v23, v46;
	v3 =	vmul.f32 $8.000000000e+00, v53;
	[tilespmem:v55+s18+$0x0] =	vst.idx.msk $0xffff, v62;
	v52 =	vld [tilespmem:s29+$0x90]  }
0x1e5: {  	v53 =	vadd.s32 v27, v43;
	[tilespmem:v54+s18+$0x0] =	vst.idx.msk $0xffff, v2;
	v40 =	vld [tilespmem:s29+$0xFFFFFF20];
	v2 =	vmul.f32 $8.000000000e+00, v56  }
0x1e6: {  	v54 =	vadd.s32 v31, v42;
	v35 =	vld [tilespmem:s29+$0xE0];
	[tilespmem:v58+s18+$0x0] =	vst.idx.msk $0xffff, v3;
	v3 =	vmul.f32 $8.000000000e+00, v59  }
0x1e7: {  	v58 =	vadd.s32 v8, v38;
	v55 =	vld [tilespmem:s29+$0xFFFFFF60];
	[tilespmem:v60+s18+$0x0] =	vst.idx.msk $0xffff, v2;
	v2 =	vmul.f32 $8.000000000e+00, v61  }
0x1e8: {  	v56 =	vadd.s32 v9, v0;
	v59 =	vld [tilespmem:s29+$0xFFFFFFA0];
	[tilespmem:v19+s18+$0x0] =	vst.idx.msk $0xffff, v3;
	v3 =	vmul.f32 $8.000000000e+00, v22  }
0x1e9: {  	v60 =	vadd.s32 v12, v47;
	v61 =	vld [tilespmem:s29+$0xFFFFFFE0];
	[tilespmem:v30+s18+$0x0] =	vst.idx.msk $0xffff, v2;
	v2 =	vmul.f32 $8.000000000e+00, v52  }
0x1ea: {  	v62 =	vadd.s32 v16, v44;
	v19 =	vmul.f32 $8.000000000e+00, v40;
	v16 =	vld [tilespmem:s29+$0x20];
	[tilespmem:v53+s18+$0x0] =	vst.idx.msk $0xffff, v3  }
0x1eb: {  	v22 =	vadd.s32 v20, v45;
	v3 =	vmul.f32 $8.000000000e+00, v35;
	v23 =	vld [tilespmem:s29+$0x60];
	[tilespmem:v54+s18+$0x0] =	vst.idx.msk $0xffff, v2  }
0x1ec: {  	v27 =	vadd.s32 v24, v46;
	v2 =	vmul.f32 $8.000000000e+00, v55;
	[tilespmem:v58+s18+$0x0] =	vst.idx.msk $0xffff, v19;
	v30 =	vld [tilespmem:s29+$0xA0]  }
0x1ed: {  	v31 =	vadd.s32 v28, v43;
	[tilespmem:v56+s18+$0x0] =	vst.idx.msk $0xffff, v3;
	v41 =	vld [tilespmem:s29+$0xFFFFFF30];
	v3 =	vmul.f32 $8.000000000e+00, v59  }
0x1ee: {  	v49 =	vadd.s32 v32, v42;
	v34 =	vld [tilespmem:s29+$0xF0];
	[tilespmem:v60+s18+$0x0] =	vst.idx.msk $0xffff, v2;
	v2 =	vmul.f32 $8.000000000e+00, v61  }
0x1ef: {  	v51 =	vadd.s32 v26, v38;
	v50 =	vld [tilespmem:s29+$0xFFFFFF70];
	[tilespmem:v62+s18+$0x0] =	vst.idx.msk $0xffff, v3;
	v3 =	vmul.f32 $8.000000000e+00, v16  }
0x1f0: {  	v0 =	vadd.s32 v57, v0;
	v52 =	vld [tilespmem:s29+$0xFFFFFFB0];
	[tilespmem:v22+s18+$0x0] =	vst.idx.msk $0xffff, v2;
	v2 =	vmul.f32 $8.000000000e+00, v23  }
0x1f1: {  	v53 =	vadd.s32 v13, v47;
	v54 =	vld [tilespmem:s29+$0xFFFFFFF0];
	[tilespmem:v27+s18+$0x0] =	vst.idx.msk $0xffff, v3;
	v3 =	vmul.f32 $8.000000000e+00, v30  }
0x1f2: {  	v55 =	vadd.s32 v17, v44;
	v57 =	vmul.f32 $8.000000000e+00, v41;
	v56 =	vld [tilespmem:s29+$0x30];
	[tilespmem:v31+s18+$0x0] =	vst.idx.msk $0xffff, v2  }
0x1f3: {  	v58 =	vadd.s32 v21, v45;
	v2 =	vmul.f32 $8.000000000e+00, v34;
	v59 =	vld [tilespmem:s29+$0x70];
	[tilespmem:v49+s18+$0x0] =	vst.idx.msk $0xffff, v3  }
0x1f4: {  	v60 =	vadd.s32 v25, v46;
	v3 =	vmul.f32 $8.000000000e+00, v50;
	[tilespmem:v51+s18+$0x0] =	vst.idx.msk $0xffff, v57;
	v61 =	vld [tilespmem:s29+$0xB0]  }
0x1f5: {  	[tilespmem:v0+s18+$0x0] =	vst.idx.msk $0xffff, v2;
	v2 =	vadd.s32 v29, v43;
	v0 =	vmul.f32 $8.000000000e+00, v52  }
0x1f6: {  	v62 =	vadd.s32 v18, v42;
	[tilespmem:v53+s18+$0x0] =	vst.idx.msk $0xffff, v3;
	v3 =	vmul.f32 $8.000000000e+00, v54  }
0x1f7: {  	[tilespmem:v55+s18+$0x0] =	vst.idx.msk $0xffff, v0;
	v0 =	vmul.f32 $8.000000000e+00, v56  }
0x1f8: {  	[tilespmem:v58+s18+$0x0] =	vst.idx.msk $0xffff, v3;
	v3 =	vmul.f32 $8.000000000e+00, v59  }
0x1f9: {  	[tilespmem:v60+s18+$0x0] =	vst.idx.msk $0xffff, v0;
	v0 =	vmul.f32 $8.000000000e+00, v61  }
0x1fa: {  	[tilespmem:v2+s18+$0x0] =	vst.idx.msk $0xffff, v3  }
0x1fb: {  	s30 =	simm.s32 $0x12800;
	s29 =	sadd.s32 $0x20, s28;
	[tilespmem:v62+s18+$0x0] =	vst.idx.msk $0xffff, v0  }
0x1fc: {  	[hbm4b:s29+s1] =	stream.linear.scatter [tilespmem:s30], [sflag:$0x7], $0x80, $0x38;
	[tilespmem:$0x16C00] =	vst v63  }
0x1fd: {  	s30 =	simm.s32 $0x220  }
.LBB2_13:
0x1fe: {  	p0 =	sne.s32 s30, $0x85E0  }
.Ltmp5:
0x1ff: {  	_ = 	snop;
	(pc) =	sbr.rel @p0 .LBB2_13-.Ltmp5, $4  }
0x200: {  	_ = 	snop  }
0x201: {  	s31 =	sshra.s32 s30, $0x2;
	s30 =	sadd.s32 $0x220, s30  }
0x202: {  	s29 =	sadd.s32 $0x800, s29;
	s31 =	sadd.s32 $0x12800, s31  }
0x203: {  	[hbm4b:s29+s1] =	stream.linear.scatter [tilespmem:s31], [sflag:$0x7], $0x80, $0x38;
	[tilespmem:$0x16C00] =	vst v63  }
0x204: {  	s29 =	simm.s32 $0x0;
	_ =	swait.ge [sflag:s19], $0x2000  }
0x205: {  	s31 =	simm.s32 $0x3;
	v0 =	vmov s29;
	s29 =	simm.s32 $0x1;
	v20 =	vld [tilespmem:$0x1FFE0]  }
0x206: {  	s30 =	simm.s32 $0x2;
	v4 =	vmov s31;
	v24 =	vld [tilespmem:$0x1FE50];
	v2 =	vmov s29;
	s29 =	simm.s32 $0x4  }
0x207: {  	v3 =	vmov s30;
	v31 =	vld [tilespmem:$0x1FE90];
	v4 =	vshrl.u32 v4, $0x3;
	v5 =	vmov s29;
	s29 =	simm.s32 $0x7  }
0x208: {  	[sflag:s19] =	ssyncset.done $0x0;
	v6 =	vld [tilespmem:$0x1FF00];
	v0 =	vshrl.u32 v0, $0x3;
	v4 =	vshll.u32 v4, v1;
	v35 =	vmov s29  }
0x209: {  	[sflag:s19] =	ssyncadd.s32 $0xFFFFE000;
	v0 =	vshll.u32 v0, v1;
	s29 =	simm.s32 $0xC500;
	v36 =	vbroadcast v4, $0x0;
	v4 =	vld [tilespmem:$0x1FEC0];
	v35 =	vshrl.u32 v35, $0x3  }
0x20a: {  	v2 =	vshrl.u32 v2, $0x3;
	v39 =	vbroadcast v0, $0x0;
	v38 =	vld [tilespmem:s29+$0xFFFFFF00];
	v35 =	vshll.u32 v35, v1  }
0x20b: {  	v3 =	vshrl.u32 v3, $0x3;
	v2 =	vshll.u32 v2, v1;
	v0 =	vld [tilespmem:s29+$0xC0];
	v41 =	vbroadcast v35, $0x0  }
0x20c: {  	v3 =	vshll.u32 v3, v1;
	v42 =	vld [tilespmem:s29+$0xFFFFFF40];
	v40 =	vbroadcast v2, $0x0;
	v43 =	vadd.s32 v24, v39  }
0x20d: {  	v5 =	vshrl.u32 v5, $0x3;
	v37 =	vbroadcast v3, $0x0;
	v44 =	vld [tilespmem:s29+$0xFFFFFF80];
	v2 =	vadd.s32 v20, v41  }
0x20e: {  	v5 =	vshll.u32 v5, v1;
	v45 =	vadd.s32 v31, v40  }
0x20f: {  	s31 =	simm.s32 $0x6;
	v35 =	vbroadcast v5, $0x0;
	v4 =	vadd.s32 v4, v37;
	v5 =	vmul.f32 $8.000000000e+00, v38  }
0x210: {  	v34 =	vmov s31;
	v0 =	vmul.f32 $8.000000000e+00, v0  }
0x211: {  	v34 =	vshrl.u32 v34, $0x3;
	v56 =	vadd.s32 v6, v36;
	v6 =	vld [tilespmem:$0x1FF30];
	v42 =	vmul.f32 $8.000000000e+00, v42;
	[tilespmem:v43+s20+$0x0] =	vst.idx.msk $0xffff, v5  }
0x212: {  	v3 =	vshll.u32 v34, v1;
	v46 =	vld [tilespmem:s29+$0xFFFFFFC0];
	[tilespmem:v2+s20+$0x0] =	vst.idx.msk $0xffff, v0;
	v2 =	vmul.f32 $8.000000000e+00, v44  }
0x213: {  	v34 =	vbroadcast v3, $0x0;
	v3 =	vld [tilespmem:$0x1FF60];
	[tilespmem:v45+s20+$0x0] =	vst.idx.msk $0xffff, v42  }
0x214: {  	v30 =	vld [tilespmem:$0x1FFA0];
	[tilespmem:v4+s20+$0x0] =	vst.idx.msk $0xffff, v2  }
0x215: {  	v7 =	vld [tilespmem:$0x1FE60];
	_ =	sdelay $0x1  }
0x216: {  	v47 =	vld [tilespmem:s29+$0x0];
	v57 =	vmul.f32 $8.000000000e+00, v46  }
0x217: {  	s30 =	simm.s32 $0x5  }
0x218: {  	v33 =	vmov s30;
	v48 =	vld [tilespmem:s29+$0x40];
	v49 =	vadd.s32 v6, v35;
	[tilespmem:v56+s20+$0x0] =	vst.idx.msk $0xffff, v57  }
0x219: {  	v33 =	vshrl.u32 v33, $0x3;
	v6 =	vmov v7;
	v51 =	vadd.s32 v7, v39;
	v7 =	vld [tilespmem:$0x1FEA0]  }
0x21a: {  	v33 =	vshll.u32 v33, v1  }
0x21b: {  	v33 =	vbroadcast v33, $0x0;
	v2 =	vmul.f32 $8.000000000e+00, v47;
	_ =	sdelay $0x1  }
0x21c: {  	v50 =	vld [tilespmem:s29+$0x80];
	v3 =	vadd.s32 v3, v33;
	[tilespmem:v49+s20+$0x0] =	vst.idx.msk $0xffff, v2  }
0x21d: {  	v60 =	vmul.f32 $8.000000000e+00, v48;
	v27 =	vmov v7;
	v48 =	vadd.s32 v7, v40;
	v7 =	vld [tilespmem:$0x1FED0];
	_ =	sdelay $0x2  }
0x21e: {  	v43 =	vld [tilespmem:s29+$0xFFFFFF10]  }
0x21f: {  	v5 =	vld [tilespmem:s29+$0xD0];
	v58 =	vadd.s32 v30, v34;
	[tilespmem:v3+s20+$0x0] =	vst.idx.msk $0xffff, v60  }
0x220: {  	v2 =	vmul.f32 $8.000000000e+00, v50;
	v10 =	vmov v7;
	v50 =	vadd.s32 v7, v37;
	v7 =	vld [tilespmem:$0x1FF10];
	_ =	sdelay $0x1  }
0x221: {  	v59 =	vld [tilespmem:s29+$0xFFFFFF50];
	v4 =	vadd.s32 v63, v41;
	_ =	sdelay $0x1  }
0x222: {  	[tilespmem:v58+s20+$0x0] =	vst.idx.msk $0xffff, v2  }
0x223: {  	v61 =	vmul.f32 $8.000000000e+00, v43;
	v3 =	vmul.f32 $8.000000000e+00, v5;
	v13 =	vmovc v7;
	v43 =	vadd.s32 v7, v36;
	v7 =	vld [tilespmem:$0x1FF40];
	_ =	sdelay $0x1  }
0x224: {  	v52 =	vld [tilespmem:s29+$0xFFFFFF90];
	v62 =	vmul.f32 $8.000000000e+00, v59;
	[tilespmem:v4+s20+$0x0] =	vst.idx.msk $0xffff, v3  }
0x225: {  	[tilespmem:v51+s20+$0x0] =	vst.idx.msk $0xffff, v61  }
0x226: {  	v4 =	vld [tilespmem:$0x1FF70];
	[tilespmem:v48+s20+$0x0] =	vst.idx.msk $0xffff, v62  }
0x227: {  	v8 =	vmov v7;
	v32 =	vadd.s32 v7, v35;
	v7 =	vld [tilespmem:$0x1FFB0];
	_ =	sdelay $0x1  }
0x228: {  	v53 =	vld [tilespmem:s29+$0xFFFFFFD0];
	v3 =	vmul.f32 $8.000000000e+00, v52  }
0x229: {  	v54 =	vld [tilespmem:s29+$0x10]  }
0x22a: {  	s30 =	simm.s32 $0x8;
	v55 =	vld [tilespmem:s29+$0x50];
	[tilespmem:v50+s20+$0x0] =	vst.idx.msk $0xffff, v3  }
0x22b: {  	v0 =	vmov s30;
	s30 =	simm.s32 $0x9;
	v17 =	vmov v7;
	v48 =	vadd.s32 v7, v34;
	v7 =	vld [tilespmem:$0x1FE70]  }
0x22c: {  	v45 =	vmov s30;
	s30 =	simm.s32 $0xA;
	v56 =	vld [tilespmem:s29+$0x90]  }
0x22d: {  	v47 =	vmov s30;
	s30 =	simm.s32 $0xB;
	v61 =	vmul.f32 $8.000000000e+00, v53;
	v60 =	vld [tilespmem:s29+$0xE0];
	v18 =	vmovc v4;
	v4 =	vadd.s32 v4, v33  }
0x22e: {  	v42 =	vmov s30;
	v51 =	vld [tilespmem:s29+$0xFFFFFF20]  }
0x22f: {  	s30 =	simm.s32 $0xC;
	v52 =	vshrl.u32 v47, $0x3;
	v47 =	vld [tilespmem:s29+$0xFFFFFF60];
	v3 =	vmul.f32 $8.000000000e+00, v54;
	v50 =	vadd.s32 v9, v41;
	[tilespmem:v43+s20+$0x0] =	vst.idx.msk $0xffff, v61  }
0x230: {  	v49 =	vmov s30;
	s30 =	simm.s32 $0xD;
	v62 =	vmul.f32 $8.000000000e+00, v55;
	v22 =	vld [tilespmem:$0x1FEB0];
	v54 =	vadd.s32 v7, v39  }
0x231: {  	v5 =	vmov s30;
	s30 =	simm.s32 $0xE;
	v57 =	vld [tilespmem:s29+$0xFFFFFFA0];
	[tilespmem:v32+s20+$0x0] =	vst.idx.msk $0xffff, v3;
	v3 =	vmul.f32 $8.000000000e+00, v56  }
0x232: {  	v2 =	vmov s30;
	v16 =	vld [tilespmem:$0x1FEE0];
	[tilespmem:v4+s20+$0x0] =	vst.idx.msk $0xffff, v62;
	v4 =	vmul.f32 $8.000000000e+00, v60  }
0x233: {  	v53 =	vshrl.u32 v42, $0x3;
	v42 =	vshrl.u32 v2, $0x3;
	v2 =	vmul.f32 $8.000000000e+00, v51;
	v19 =	vmovc v7;
	v7 =	vld [tilespmem:$0x1FE20];
	[tilespmem:v48+s20+$0x0] =	vst.idx.msk $0xffff, v3  }
0x234: {  	v3 =	vld [tilespmem:$0x1FE30];
	[tilespmem:v50+s20+$0x0] =	vst.idx.msk $0xffff, v4  }
0x235: {  	v43 =	vshrl.u32 v49, $0x3;
	v58 =	vld [tilespmem:s29+$0xFFFFFFE0];
	v49 =	vadd.s32 v22, v40;
	[tilespmem:v54+s20+$0x0] =	vst.idx.msk $0xffff, v2  }
0x236: {  	v0 =	vshrl.u32 v0, $0x3;
	v4 =	vld [tilespmem:$0x1FF80]  }
0x237: {  	v0 =	vshll.u32 v0, v1;
	v59 =	vld [tilespmem:s29+$0x20]  }
0x238: {  	v38 =	vbroadcast v0, $0x0;
	v0 =	vmul.f32 $8.000000000e+00, v47;
	v61 =	vld [tilespmem:s29+$0x60];
	v46 =	vadd.s32 v16, v37  }
0x239: {  	v62 =	vld [tilespmem:s29+$0xA0]  }
0x23a: {  	v56 =	vld [tilespmem:s29+$0xF0];
	[tilespmem:v49+s20+$0x0] =	vst.idx.msk $0xffff, v0  }
0x23b: {  	v60 =	vadd.s32 v7, v36;
	v2 =	vmul.f32 $8.000000000e+00, v57;
	v12 =	vmovc v4;
	v55 =	vadd.s32 v4, v33;
	v4 =	vld [tilespmem:$0x1FFC0]  }
0x23c: {  	v50 =	vld [tilespmem:s29+$0xFFFFFF30]  }
0x23d: {  	v44 =	vshll.u32 v52, v1;
	v15 =	vmov v3;
	v3 =	vadd.s32 v3, v35;
	v52 =	vld [tilespmem:s29+$0xFFFFFF70];
	[tilespmem:v46+s20+$0x0] =	vst.idx.msk $0xffff, v2  }
0x23e: {  	v0 =	vmul.f32 $8.000000000e+00, v58;
	v11 =	vld [tilespmem:$0x1FE80]  }
0x23f: {  	v49 =	vld [tilespmem:s29+$0xFFFFFFB0]  }
0x240: {  	v2 =	vmul.f32 $8.000000000e+00, v59;
	v23 =	vmov v4;
	v51 =	vadd.s32 v4, v34;
	v4 =	vld [tilespmem:$0x1FE40];
	[tilespmem:v60+s20+$0x0] =	vst.idx.msk $0xffff, v0  }
0x241: {  	v0 =	vld [tilespmem:$0x1FE10]  }
0x242: {  	v54 =	vld [tilespmem:s29+$0xFFFFFFF0];
	[tilespmem:v3+s20+$0x0] =	vst.idx.msk $0xffff, v2  }
0x243: {  	v28 =	vld [tilespmem:$0x1FEF0]  }
0x244: {  	v45 =	vshrl.u32 v45, $0x3;
	v5 =	vshrl.u32 v5, $0x3;
	v21 =	vld [tilespmem:$0x1FF20]  }
0x245: {  	v47 =	vshll.u32 v45, v1;
	v45 =	vshll.u32 v53, v1;
	v46 =	vshll.u32 v43, v1;
	v25 =	vld [tilespmem:$0x1FF50]  }
0x246: {  	v43 =	vshll.u32 v5, v1;
	v48 =	vadd.s32 v11, v39;
	v39 =	vmul.f32 $8.000000000e+00, v61;
	v29 =	vld [tilespmem:$0x1FF90]  }
0x247: {  	s31 =	simm.s32 $0xF;
	s30 =	simm.s32 $0x10;
	v32 =	vmovc v7;
	v7 =	vld [tilespmem:$0x1FFD0];
	v53 =	vadd.s32 v4, v41;
	v26 =	vmovc v0;
	v41 =	vadd.s32 v0, v40;
	v40 =	vmul.f32 $8.000000000e+00, v62  }
.LBB2_15:
0x248: {  	v0 =	vmov s31;
	v2 =	vadd.s32 v28, v37  }
0x249: {  	v3 =	vld [tilespmem:s29+$0x30];
	[tilespmem:v55+s20+$0x0] =	vst.idx.msk $0xffff, v39;
	v0 =	vshrl.u32 v0, $0x3;
	v5 =	vmul.f32 $8.000000000e+00, v50  }
0x24a: {  	[tilespmem:v51+s20+$0x0] =	vst.idx.msk $0xffff, v40;
	v55 =	vld [tilespmem:s29+$0x70];
	v0 =	vshll.u32 v0, v1  }
0x24b: {  	v36 =	vadd.s32 v21, v36;
	v57 =	vld [tilespmem:s29+$0xB0];
	s29 =	sadd.s32 $0x200, s29;
	v40 =	vbroadcast v0, $0x0;
	v0 =	vmul.f32 $8.000000000e+00, v49;
	[tilespmem:v48+s20+$0x0] =	vst.idx.msk $0xffff, v5  }
0x24c: {  	v4 =	vmul.f32 $8.000000000e+00, v56;
	v5 =	vadd.s32 v29, v33;
	v58 =	vld [tilespmem:s29+$0xFFFFFF00]  }
0x24d: {  	v35 =	vadd.s32 v25, v35;
	v39 =	vmov v38;
	v56 =	vmul.f32 $8.000000000e+00, v52;
	v52 =	vld [tilespmem:$0x1FEC0];
	[tilespmem:v2+s20+$0x0] =	vst.idx.msk $0xffff, v0  }
0x24e: {  	v59 =	vmul.f32 $8.000000000e+00, v54;
	[tilespmem:v53+s20+$0x0] =	vst.idx.msk $0xffff, v4;
	v0 =	vmul.f32 $8.000000000e+00, v3;
	v2 =	vadd.s32 v24, v39;
	v3 =	vld [tilespmem:s29+$0xFFFFFF80]  }
0x24f: {  	[tilespmem:v41+s20+$0x0] =	vst.idx.msk $0xffff, v56;
	v4 =	vld [tilespmem:s29+$0xC0];
	v38 =	vmul.f32 $8.000000000e+00, v55  }
0x250: {  	[tilespmem:v36+s20+$0x0] =	vst.idx.msk $0xffff, v59;
	v60 =	vld [tilespmem:s29+$0xFFFFFF40]  }
0x251: {  	v34 =	vadd.s32 v7, v34;
	v55 =	vld [tilespmem:$0x1FF00];
	[tilespmem:v5+s20+$0x0] =	vst.idx.msk $0xffff, v38;
	v5 =	vmul.f32 $8.000000000e+00, v58  }
0x252: {  	v61 =	vadd.s32 v20, v40;
	v41 =	vbroadcast v47, $0x0;
	[tilespmem:v35+s20+$0x0] =	vst.idx.msk $0xffff, v0;
	v0 =	vmul.f32 $8.000000000e+00, v57;
	v57 =	vld [tilespmem:$0x1FF30]  }
0x253: {  	v37 =	vbroadcast v44, $0x0;
	[tilespmem:v2+s20+$0x0] =	vst.idx.msk $0xffff, v5;
	v2 =	vmul.f32 $8.000000000e+00, v3;
	v3 =	vld [tilespmem:$0x1FF60]  }
0x254: {  	v36 =	vbroadcast v45, $0x0;
	v48 =	vld [tilespmem:s29+$0xFFFFFFC0];
	v62 =	vadd.s32 v31, v41  }
0x255: {  	v35 =	vbroadcast v46, $0x0;
	v53 =	vadd.s32 v52, v37;
	v54 =	vld [tilespmem:s29+$0x0];
	v4 =	vmul.f32 $8.000000000e+00, v4  }
0x256: {  	v42 =	vshll.u32 v42, v1;
	v33 =	vbroadcast v43, $0x0;
	[tilespmem:v34+s20+$0x0] =	vst.idx.msk $0xffff, v0;
	v38 =	vadd.s32 v55, v36;
	v56 =	vld [tilespmem:s29+$0x40]  }
0x257: {  	v34 =	vbroadcast v42, $0x0;
	v59 =	vld [tilespmem:s29+$0x80];
	v0 =	vmul.f32 $8.000000000e+00, v60;
	v58 =	vadd.s32 v57, v35;
	[tilespmem:v61+s20+$0x0] =	vst.idx.msk $0xffff, v4  }
0x258: {  	v5 =	vld [tilespmem:s29+$0xD0];
	v3 =	vadd.s32 v3, v33  }
0x259: {  	[tilespmem:v62+s20+$0x0] =	vst.idx.msk $0xffff, v0;
	v0 =	vmul.f32 $8.000000000e+00, v48;
	v61 =	vadd.s32 v30, v34;
	v60 =	vld [tilespmem:s29+$0xFFFFFF10]  }
0x25a: {  	s31 =	sadd.s32 $0x1, s30;
	v51 =	vadd.s32 v6, v39;
	v45 =	vadd.s32 v63, v40;
	v62 =	vld [tilespmem:s29+$0xFFFFFF50];
	[tilespmem:v53+s20+$0x0] =	vst.idx.msk $0xffff, v2;
	v2 =	vmul.f32 $8.000000000e+00, v54  }
0x25b: {  	v49 =	vadd.s32 v10, v37;
	v47 =	vmov s31;
	s31 =	sadd.s32 $0x2, s30;
	v52 =	vld [tilespmem:s29+$0xFFFFFF90];
	[tilespmem:v38+s20+$0x0] =	vst.idx.msk $0xffff, v0;
	v0 =	vmul.f32 $8.000000000e+00, v56  }
0x25c: {  	v50 =	vmov s31;
	v46 =	vadd.s32 v27, v41;
	v63 =	vld [tilespmem:s29+$0xFFFFFFD0];
	[tilespmem:v58+s20+$0x0] =	vst.idx.msk $0xffff, v2;
	v2 =	vmul.f32 $8.000000000e+00, v59  }
0x25d: {  	v47 =	vshrl.u32 v47, $0x3;
	v50 =	vshrl.u32 v50, $0x3;
	v54 =	vld [tilespmem:s29+$0x10];
	[tilespmem:v3+s20+$0x0] =	vst.idx.msk $0xffff, v0;
	v0 =	vmul.f32 $8.000000000e+00, v5  }
0x25e: {  	v42 =	vadd.s32 v13, v36;
	v4 =	vmov s30;
	[tilespmem:v61+s20+$0x0] =	vst.idx.msk $0xffff, v2;
	v5 =	vmul.f32 $8.000000000e+00, v60;
	v55 =	vld [tilespmem:s29+$0x50]  }
0x25f: {  	v4 =	vshrl.u32 v4, $0x3;
	v61 =	vadd.s32 v8, v35;
	v60 =	vmul.f32 $8.000000000e+00, v62;
	v62 =	vld [tilespmem:s29+$0x90];
	[tilespmem:v45+s20+$0x0] =	vst.idx.msk $0xffff, v0  }
0x260: {  	v0 =	vshll.u32 v4, v1;
	[tilespmem:v51+s20+$0x0] =	vst.idx.msk $0xffff, v5;
	v4 =	vmul.f32 $8.000000000e+00, v52;
	v5 =	vadd.s32 v18, v33;
	v45 =	vld [tilespmem:s29+$0xE0]  }
0x261: {  	s31 =	sadd.s32 $0x3, s30;
	v47 =	vshll.u32 v47, v1;
	v63 =	vmul.f32 $8.000000000e+00, v63;
	[tilespmem:v46+s20+$0x0] =	vst.idx.msk $0xffff, v60;
	v46 =	vadd.s32 v17, v34;
	v51 =	vld [tilespmem:s29+$0xFFFFFF20]  }
0x262: {  	v38 =	vmov s31;
	s31 =	sadd.s32 $0x4, s30;
	v52 =	vld [tilespmem:s29+$0xFFFFFF60];
	[tilespmem:v49+s20+$0x0] =	vst.idx.msk $0xffff, v4;
	v4 =	vmul.f32 $8.000000000e+00, v54;
	v49 =	vadd.s32 v9, v40  }
0x263: {  	v43 =	vmov s31;
	s31 =	sadd.s32 $0x5, s30;
	[tilespmem:v42+s20+$0x0] =	vst.idx.msk $0xffff, v63;
	v54 =	vadd.s32 v19, v39;
	v57 =	vld [tilespmem:s29+$0xFFFFFFA0];
	v55 =	vmul.f32 $8.000000000e+00, v55  }
0x264: {  	v44 =	vshll.u32 v50, v1;
	v3 =	vmov s31;
	s31 =	sadd.s32 $0x6, s30;
	v59 =	vld [tilespmem:s29+$0xFFFFFFE0];
	[tilespmem:v61+s20+$0x0] =	vst.idx.msk $0xffff, v4;
	v4 =	vmul.f32 $8.000000000e+00, v62  }
0x265: {  	v58 =	vadd.s32 v22, v41;
	v2 =	vmov s31;
	v60 =	vld [tilespmem:s29+$0x20];
	[tilespmem:v5+s20+$0x0] =	vst.idx.msk $0xffff, v55;
	v5 =	vmul.f32 $8.000000000e+00, v45  }
0x266: {  	v48 =	vadd.s32 v16, v37;
	v42 =	vshrl.u32 v2, $0x3;
	v2 =	vmul.f32 $8.000000000e+00, v51;
	[tilespmem:v46+s20+$0x0] =	vst.idx.msk $0xffff, v4;
	v62 =	vld [tilespmem:s29+$0x60]  }
0x267: {  	v53 =	vshrl.u32 v38, $0x3;
	v38 =	vbroadcast v0, $0x0;
	v61 =	vadd.s32 v32, v36;
	v63 =	vld [tilespmem:s29+$0xA0];
	[tilespmem:v49+s20+$0x0] =	vst.idx.msk $0xffff, v5  }
0x268: {  	p0 =	slt.u32 s30, $0x78;
	v0 =	vmul.f32 $8.000000000e+00, v52;
	v4 =	vadd.s32 v15, v35;
	[tilespmem:v54+s20+$0x0] =	vst.idx.msk $0xffff, v2;
	v2 =	vmul.f32 $8.000000000e+00, v57;
	v57 =	vld [tilespmem:$0x1FE40]  }
.Ltmp6:
0x269: {  	v41 =	vadd.s32 v26, v41;
	v43 =	vshrl.u32 v43, $0x3;
	v3 =	vshrl.u32 v3, $0x3;
	v56 =	vld [tilespmem:s29+$0xF0];
	(pc) =	sbr.rel @p0 .LBB2_15-.Ltmp6, $4  }
0x26a: {  	v55 =	vadd.s32 v12, v33;
	v51 =	vadd.s32 v23, v34;
	[tilespmem:v58+s20+$0x0] =	vst.idx.msk $0xffff, v0;
	v0 =	vmul.f32 $8.000000000e+00, v59;
	v50 =	vld [tilespmem:s29+$0xFFFFFF30]  }
0x26b: {  	v45 =	vshll.u32 v53, v1;
	v46 =	vshll.u32 v43, v1;
	v52 =	vld [tilespmem:s29+$0xFFFFFF70];
	[tilespmem:v48+s20+$0x0] =	vst.idx.msk $0xffff, v2;
	v2 =	vmul.f32 $8.000000000e+00, v60  }
0x26c: {  	v43 =	vshll.u32 v3, v1;
	v48 =	vadd.s32 v11, v39;
	[tilespmem:v61+s20+$0x0] =	vst.idx.msk $0xffff, v0;
	v49 =	vld [tilespmem:s29+$0xFFFFFFB0]  }
0x26d: {  	s31 =	sadd.s32 $0x7, s30;
	s30 =	sadd.s32 $0x8, s30;
	v54 =	vld [tilespmem:s29+$0xFFFFFFF0];
	v39 =	vmul.f32 $8.000000000e+00, v62;
	[tilespmem:v4+s20+$0x0] =	vst.idx.msk $0xffff, v2;
	v53 =	vadd.s32 v57, v40;
	v40 =	vmul.f32 $8.000000000e+00, v63;
	v63 =	vmovc v14  }
0x26e: {  	_ =	sdelay $0x3  }
0x26f: {  	v2 =	vadd.s32 v28, v37;
	v3 =	vld [tilespmem:s29+$0x30];
	v4 =	vmul.f32 $8.000000000e+00, v56;
	[tilespmem:v55+s20+$0x0] =	vst.idx.msk $0xffff, v39  }
0x270: {  	v36 =	vadd.s32 v21, v36;
	v5 =	vmul.f32 $8.000000000e+00, v50;
	[tilespmem:v51+s20+$0x0] =	vst.idx.msk $0xffff, v40  }
0x271: {  	v35 =	vadd.s32 v25, v35;
	v55 =	vmul.f32 $8.000000000e+00, v52;
	[tilespmem:v53+s20+$0x0] =	vst.idx.msk $0xffff, v4  }
0x272: {  	[tilespmem:v48+s20+$0x0] =	vst.idx.msk $0xffff, v5;
	v5 =	vmul.f32 $8.000000000e+00, v49  }
0x273: {  	[tilespmem:v41+s20+$0x0] =	vst.idx.msk $0xffff, v55;
	v58 =	vmul.f32 $8.000000000e+00, v54  }
0x274: {  	v62 =	vld [tilespmem:s29+$0x70];
	[tilespmem:v2+s20+$0x0] =	vst.idx.msk $0xffff, v5;
	v2 =	vmul.f32 $8.000000000e+00, v3  }
0x275: {  	[tilespmem:v36+s20+$0x0] =	vst.idx.msk $0xffff, v58  }
0x276: {  	v33 =	vadd.s32 v29, v33;
	[tilespmem:v35+s20+$0x0] =	vst.idx.msk $0xffff, v2  }
0x277: {  	v0 =	vmov s31;
	v14 =	vld [tilespmem:$0x1FEC0]  }
0x278: {  	v0 =	vshrl.u32 v0, $0x3  }
0x279: {  	v0 =	vshll.u32 v0, v1;
	v40 =	vld [tilespmem:s29+$0xB0];
	s29 =	sadd.s32 $0x200, s29;
	v60 =	vmul.f32 $8.000000000e+00, v62  }
0x27a: {  	v44 =	vbroadcast v44, $0x0;
	v4 =	vld [tilespmem:s29+$0xC0];
	v0 =	vbroadcast v0, $0x0  }
0x27b: {  	v34 =	vadd.s32 v7, v34;
	v56 =	vld [tilespmem:s29+$0xFFFFFF00];
	[tilespmem:v33+s20+$0x0] =	vst.idx.msk $0xffff, v60  }
0x27c: {  	v49 =	vadd.s32 v20, v0;
	v52 =	vadd.s32 v14, v44;
	v14 =	vld [tilespmem:$0x1FF00]  }
0x27d: {  	v3 =	vadd.s32 v24, v38  }
0x27e: {  	v2 =	vmul.f32 $8.000000000e+00, v40  }
0x27f: {  	v45 =	vbroadcast v45, $0x0;
	v4 =	vmul.f32 $8.000000000e+00, v4  }
0x280: {  	v59 =	vld [tilespmem:s29+$0xFFFFFF40];
	v54 =	vmul.f32 $8.000000000e+00, v56;
	[tilespmem:v34+s20+$0x0] =	vst.idx.msk $0xffff, v2  }
0x281: {  	v55 =	vadd.s32 v14, v45;
	v14 =	vld [tilespmem:$0x1FF30];
	[tilespmem:v49+s20+$0x0] =	vst.idx.msk $0xffff, v4  }
0x282: {  	v47 =	vbroadcast v47, $0x0;
	v5 =	vld [tilespmem:s29+$0xFFFFFF80];
	[tilespmem:v3+s20+$0x0] =	vst.idx.msk $0xffff, v54  }
0x283: {  	v4 =	vld [tilespmem:$0x1FF60]  }
0x284: {  	v61 =	vadd.s32 v31, v47;
	v62 =	vld [tilespmem:s29+$0xFFFFFFC0]  }
0x285: {  	v46 =	vbroadcast v46, $0x0;
	v53 =	vld [tilespmem:s29+$0x0]  }
0x286: {  	v42 =	vshll.u32 v42, v1;
	v43 =	vbroadcast v43, $0x0;
	v56 =	vld [tilespmem:s29+$0x40]  }
0x287: {  	v42 =	vbroadcast v42, $0x0;
	v2 =	vmul.f32 $8.000000000e+00, v59;
	v59 =	vld [tilespmem:s29+$0x80];
	v58 =	vadd.s32 v14, v46  }
0x288: {  	v3 =	vmul.f32 $8.000000000e+00, v5;
	v5 =	vld [tilespmem:s29+$0xD0];
	v4 =	vadd.s32 v4, v43  }
0x289: {  	v60 =	vadd.s32 v30, v42;
	v33 =	vld [tilespmem:s29+$0xFFFFFF10];
	[tilespmem:v61+s20+$0x0] =	vst.idx.msk $0xffff, v2;
	v2 =	vmul.f32 $8.000000000e+00, v62  }
0x28a: {  	v62 =	vadd.s32 v63, v0;
	v61 =	vld [tilespmem:s29+$0xFFFFFF50];
	[tilespmem:v52+s20+$0x0] =	vst.idx.msk $0xffff, v3;
	v3 =	vmul.f32 $8.000000000e+00, v53  }
0x28b: {  	v52 =	vadd.s32 v6, v38;
	v53 =	vld [tilespmem:s29+$0xFFFFFF90];
	[tilespmem:v55+s20+$0x0] =	vst.idx.msk $0xffff, v2;
	v2 =	vmul.f32 $8.000000000e+00, v56  }
0x28c: {  	v54 =	vadd.s32 v27, v47;
	v55 =	vld [tilespmem:s29+$0xFFFFFFD0];
	[tilespmem:v58+s20+$0x0] =	vst.idx.msk $0xffff, v3;
	v3 =	vmul.f32 $8.000000000e+00, v59  }
0x28d: {  	v56 =	vadd.s32 v10, v44;
	v58 =	vld [tilespmem:s29+$0x10];
	[tilespmem:v4+s20+$0x0] =	vst.idx.msk $0xffff, v2;
	v2 =	vmul.f32 $8.000000000e+00, v5  }
0x28e: {  	v4 =	vmul.f32 $8.000000000e+00, v33;
	v5 =	vadd.s32 v13, v45;
	v59 =	vld [tilespmem:s29+$0x50];
	[tilespmem:v60+s20+$0x0] =	vst.idx.msk $0xffff, v3  }
0x28f: {  	v3 =	vmul.f32 $8.000000000e+00, v61;
	v60 =	vadd.s32 v8, v46;
	v61 =	vld [tilespmem:s29+$0x90];
	[tilespmem:v62+s20+$0x0] =	vst.idx.msk $0xffff, v2  }
0x290: {  	[tilespmem:v52+s20+$0x0] =	vst.idx.msk $0xffff, v4;
	v2 =	vmul.f32 $8.000000000e+00, v53;
	v4 =	vadd.s32 v18, v43;
	v35 =	vld [tilespmem:s29+$0xE0]  }
0x291: {  	v62 =	vadd.s32 v17, v42;
	v40 =	vld [tilespmem:s29+$0xFFFFFF20];
	[tilespmem:v54+s20+$0x0] =	vst.idx.msk $0xffff, v3;
	v3 =	vmul.f32 $8.000000000e+00, v55  }
0x292: {  	v53 =	vadd.s32 v9, v0;
	v52 =	vld [tilespmem:s29+$0xFFFFFF60];
	[tilespmem:v56+s20+$0x0] =	vst.idx.msk $0xffff, v2;
	v2 =	vmul.f32 $8.000000000e+00, v58  }
0x293: {  	v54 =	vadd.s32 v19, v38;
	v55 =	vld [tilespmem:s29+$0xFFFFFFA0];
	[tilespmem:v5+s20+$0x0] =	vst.idx.msk $0xffff, v3;
	v3 =	vmul.f32 $8.000000000e+00, v59  }
0x294: {  	v5 =	vadd.s32 v22, v47;
	v56 =	vld [tilespmem:s29+$0xFFFFFFE0];
	[tilespmem:v60+s20+$0x0] =	vst.idx.msk $0xffff, v2;
	v2 =	vmul.f32 $8.000000000e+00, v61  }
0x295: {  	v58 =	vadd.s32 v16, v44;
	v59 =	vld [tilespmem:s29+$0x20];
	[tilespmem:v4+s20+$0x0] =	vst.idx.msk $0xffff, v3;
	v3 =	vmul.f32 $8.000000000e+00, v35  }
0x296: {  	v60 =	vadd.s32 v32, v45;
	v4 =	vmul.f32 $8.000000000e+00, v40;
	v61 =	vld [tilespmem:s29+$0x60];
	[tilespmem:v62+s20+$0x0] =	vst.idx.msk $0xffff, v2  }
0x297: {  	v2 =	vmul.f32 $8.000000000e+00, v52;
	v62 =	vadd.s32 v15, v46;
	v52 =	vld [tilespmem:s29+$0xA0];
	[tilespmem:v53+s20+$0x0] =	vst.idx.msk $0xffff, v3  }
0x298: {  	[tilespmem:v54+s20+$0x0] =	vst.idx.msk $0xffff, v4;
	v3 =	vmul.f32 $8.000000000e+00, v55;
	v4 =	vadd.s32 v12, v43;
	v34 =	vld [tilespmem:s29+$0xF0]  }
0x299: {  	v41 =	vld [tilespmem:s29+$0xFFFFFF30];
	[tilespmem:v5+s20+$0x0] =	vst.idx.msk $0xffff, v2;
	v2 =	vmul.f32 $8.000000000e+00, v56;
	v5 =	vadd.s32 v23, v42  }
0x29a: {  	v0 =	vadd.s32 v57, v0;
	v53 =	vld [tilespmem:s29+$0xFFFFFF70];
	[tilespmem:v58+s20+$0x0] =	vst.idx.msk $0xffff, v3;
	v3 =	vmul.f32 $8.000000000e+00, v59  }
0x29b: {  	v54 =	vadd.s32 v11, v38;
	v55 =	vld [tilespmem:s29+$0xFFFFFFB0];
	[tilespmem:v60+s20+$0x0] =	vst.idx.msk $0xffff, v2;
	v2 =	vmul.f32 $8.000000000e+00, v61  }
0x29c: {  	v56 =	vadd.s32 v26, v47;
	v57 =	vld [tilespmem:s29+$0xFFFFFFF0];
	[tilespmem:v62+s20+$0x0] =	vst.idx.msk $0xffff, v3;
	v3 =	vmul.f32 $8.000000000e+00, v52  }
0x29d: {  	v58 =	vadd.s32 v28, v44;
	v59 =	vld [tilespmem:s29+$0x30];
	[tilespmem:v4+s20+$0x0] =	vst.idx.msk $0xffff, v2;
	v2 =	vmul.f32 $8.000000000e+00, v34  }
0x29e: {  	v60 =	vadd.s32 v21, v45;
	v4 =	vmul.f32 $8.000000000e+00, v41;
	v61 =	vld [tilespmem:s29+$0x70];
	[tilespmem:v5+s20+$0x0] =	vst.idx.msk $0xffff, v3  }
0x29f: {  	v3 =	vmul.f32 $8.000000000e+00, v53;
	v5 =	vadd.s32 v25, v46;
	v62 =	vld [tilespmem:s29+$0xB0];
	[tilespmem:v0+s20+$0x0] =	vst.idx.msk $0xffff, v2  }
0x2a0: {  	[tilespmem:v54+s20+$0x0] =	vst.idx.msk $0xffff, v4;
	v0 =	vmul.f32 $8.000000000e+00, v55;
	v2 =	vadd.s32 v29, v43  }
0x2a1: {  	v4 =	vadd.s32 v7, v42;
	[tilespmem:v56+s20+$0x0] =	vst.idx.msk $0xffff, v3;
	v3 =	vmul.f32 $8.000000000e+00, v57  }
0x2a2: {  	[tilespmem:v58+s20+$0x0] =	vst.idx.msk $0xffff, v0;
	v0 =	vmul.f32 $8.000000000e+00, v59  }
0x2a3: {  	[tilespmem:v60+s20+$0x0] =	vst.idx.msk $0xffff, v3;
	v3 =	vmul.f32 $8.000000000e+00, v61  }
0x2a4: {  	[tilespmem:v5+s20+$0x0] =	vst.idx.msk $0xffff, v0;
	v0 =	vmul.f32 $8.000000000e+00, v62  }
0x2a5: {  	[tilespmem:v2+s20+$0x0] =	vst.idx.msk $0xffff, v3  }
0x2a6: {  	s28 =	sadd.s32 $0x30, s28;
	v20 =	vmov v9;
	v24 =	vmov v6;
	s29 =	simm.s32 $0x14A00;
	[tilespmem:v4+s20+$0x0] =	vst.idx.msk $0xffff, v0  }
0x2a7: {  	v6 =	vmovc v20;
	v14 =	vmovc v27;
	v9 =	vmov v13;
	v22 =	vmov v28;
	v16 =	vmov v17;
	[hbm4b:s28+s1] =	stream.linear.scatter [tilespmem:s29], [sflag:$0x8], $0x80, $0x38;
	[tilespmem:$0x16C00] =	vst v63  }
0x2a8: {  	v7 =	vmovc v10;
	v10 =	vmovc v18;
	v29 =	vmov v23;
	v5 =	vmov v8;
	s29 =	simm.s32 $0x220;
	v0 =	vmov v12  }
.LBB2_17:
0x2a9: {  	p0 =	sne.s32 s29, $0x85E0  }
.Ltmp7:
0x2aa: {  	_ = 	snop;
	(pc) =	sbr.rel @p0 .LBB2_17-.Ltmp7, $4  }
0x2ab: {  	_ = 	snop  }
0x2ac: {  	s30 =	sshra.s32 s29, $0x2;
	s29 =	sadd.s32 $0x220, s29  }
0x2ad: {  	s28 =	sadd.s32 $0x800, s28;
	s30 =	sadd.s32 $0x14A00, s30  }
0x2ae: {  	[hbm4b:s28+s1] =	stream.linear.scatter [tilespmem:s30], [sflag:$0x8], $0x80, $0x38;
	[tilespmem:$0x16C00] =	vst v63  }
0x2af: {  	v11 =	vld [tilespmem:$0x1FE50]  }
0x2b0: {  	v4 =	vld [tilespmem:$0x1FE90]  }
0x2b1: {  	v18 =	vld [tilespmem:$0x1FEB0]  }
0x2b2: {  	v13 =	vld [tilespmem:$0x1FEC0]  }
0x2b3: {  	v21 =	vld [tilespmem:$0x1FEE0]  }
0x2b4: {  	v25 =	vld [tilespmem:$0x1FF00]  }
0x2b5: {  	v23 =	vld [tilespmem:$0x1FF20]  }
0x2b6: {  	s26 =	sadd.s32 $0x1, s26;
	v30 =	vld [tilespmem:$0x1FF30]  }
0x2b7: {  	v27 =	vld [tilespmem:$0x1FF50];
	p0 =	sne.s32 s26, $0x32  }
.Ltmp8:
0x2b8: {  	v28 =	vld [tilespmem:$0x1FF60];
	(pc) =	sbr.rel @p0 .LBB2_2-.Ltmp8, $4  }
0x2b9: {  	v31 =	vld [tilespmem:$0x1FF90]  }
0x2ba: {  	v32 =	vld [tilespmem:$0x1FFA0]  }
0x2bb: {  	v17 =	vld [tilespmem:$0x1FFD0]  }
0x2bc: {  	v15 =	vld [tilespmem:$0x1FFE0]  }
0x2bd: {  	_ =	swait.ge [sflag:s21], $0x2000  }
0x2be: {  	[sflag:s21] =	ssyncset.done $0x0  }
0x2bf: {  	[sflag:s21] =	ssyncadd.s32 $0xFFFFE000  }
0x2c0: {  	_ =	swait.ge [sflag:s22], $0x2000  }
0x2c1: {  	[sflag:s22] =	ssyncset.done $0x0  }
0x2c2: {  	s25 =	sadd.s32 $0x1, s25;
	[sflag:s22] =	ssyncadd.s32 $0xFFFFE000  }
0x2c3: {  	p0 =	sne.s32 s25, s7;
	_ =	swait.ge [sflag:s23], $0x2000  }
.Ltmp9:
0x2c4: {  	[sflag:s23] =	ssyncset.done $0x0;
	(pc) =	sbr.rel @p0 .LBB2_1-.Ltmp9, $4  }
0x2c5: {  	[sflag:s23] =	ssyncadd.s32 $0xFFFFE000  }
0x2c6: {  	_ =	swait.ge [sflag:s24], $0x2000  }
0x2c7: {  	[sflag:s24] =	ssyncset.done $0x0  }
0x2c8: {  	[sflag:s24] =	ssyncadd.s32 $0xFFFFE000  }
0x2c9: {  	_ =	sfence.sel $0x180000  }
0x2ca: {  	[bflag:$0x0] =	sbarrier.arrive $0xFFFF  }
0x2cb: {  	p0 =	sne.s32 s2, $0x0;
	_ =	strace $0x90000047  }
0x2cc: {  	s0 =	sadd.s32 @!p0 $0x100000, s0;
	[bflag:$0x2] =	sbarrier.arrive $0xFFFF  }
0x2cd: {  	[sflag:s0] =	ssyncadd.tile.s32 @!p0 $0x1;
	_ =	shalt  }
.Lfunc_end2:
_tile_overlayer_lowered:
.L_overlay_start_2:
0x2ce: {  	(tag) =	ssettag $0x2  }
0x2cf: {  	s0 =	rddreg [dreg:$0x0];
	s2 =	stileid.u32  }
0x2d0: {  	s1 =	rddreg [dreg:$0x1];
	p0 =	sne.s32 s2, $0x0  }
0x2d1: {  	s3 =	rddreg [dreg:$0x2];
	[bflag:$0x3] =	sbarrier.arrive $0xFFFF;
	s2 =	simm.s32 @!p0 $0x1C09  }
0x2d2: {  	[timem:s3], [sflag:s2] =	dma.local @!p0 [hbm:s0], s1  }
0x2d3: {  	s0 =	simm.s32 @!p0 $0x9  }
0x2d4: {  	_ =	swait.ge @!p0 [sflag:s0], s1  }
0x2d5: {  	s1 =	ssub.s32 @!p0 $0x0, s1;
	[sflag:s0] =	ssyncset.done @!p0 $0x0  }
0x2d6: {  	[sflag:s0] =	ssyncadd.s32 @!p0 s1  }
0x2d7: {  	[bflag:$0x3] =	sbarrier.arrive $0xFFFF  }
0x2d8: {  	_ =	shalt  }

</sc_bundles>
